<compile_context>
chip_gen: v7x
topology: tpu7x:2x2x1
jax: 0.10.2.dev20260603
libtpu: 0.0.44.dev20260713+nightly
codegen_flags: <defaults>
</compile_context>

<pallas_src>
import functools

import jax
import jax.numpy as jnp
from jax import lax
from jax.experimental import pallas as pl
from jax.experimental.pallas import tpu as pltpu
from jax.experimental.pallas import tpu_sc as plsc

NUM_CORES = 2
NUM_SUBCORES = 16
NUM_WORKERS = NUM_CORES * NUM_SUBCORES

CHUNK = 1600
NBUF = 2
TAIL_SPLIT = 4
TAIL = CHUNK // TAIL_SPLIT


@functools.partial(jax.jit, static_argnums=(2, 3))
def _embed(ids3, table, n_per_w, n_chunks):
    n = ids3.shape[0] * CHUNK
    d = table.shape[1]
    chunks_per_w = n_chunks // NUM_WORKERS

    mesh = plsc.VectorSubcoreMesh(core_axis_name="c", subcore_axis_name="s")

    @functools.partial(
        pl.kernel,
        out_type=jax.ShapeDtypeStruct((n, d), jnp.float32),
        mesh=mesh,
        scratch_types=[
            pltpu.VMEM((NBUF, CHUNK), jnp.int32),
            pltpu.VMEM((NBUF, CHUNK, d), jnp.float32),
            [pltpu.SemaphoreType.DMA] * NBUF,
            [pltpu.SemaphoreType.DMA] * NBUF,
            [pltpu.SemaphoreType.DMA] * NBUF,
            [pltpu.SemaphoreType.DMA] * TAIL_SPLIT,
            [pltpu.SemaphoreType.DMA] * TAIL_SPLIT,
        ],
        compiler_params=pltpu.CompilerParams(use_tc_tiling_on_sc=False),
    )
    def k(ids_hbm, table_hbm, out_hbm, idx_v, rows_v, gsems, osems, isems,
          tgsems, tosems):
        wid = lax.axis_index("s") * NUM_CORES + lax.axis_index("c")
        base = wid * n_per_w
        chunk0 = wid * chunks_per_w

        def fire_idx(b, cglob):
            pltpu.async_copy(ids_hbm.at[cglob], idx_v.at[b], isems[b])

        def fire_gathers(b, cglob):
            pltpu.make_async_copy(
                ids_hbm.at[cglob], idx_v.at[b], isems[b]
            ).wait()
            pltpu.async_copy(
                table_hbm.at[idx_v.at[b]], rows_v.at[b], gsems[b]
            )

        def wait_gathers(b, cglob):
            pltpu.make_async_copy(
                table_hbm.at[idx_v.at[b]], rows_v.at[b], gsems[b]
            ).wait()

        def out_slice(c):
            row0 = pl.multiple_of(base + c * CHUNK, CHUNK)
            return out_hbm.at[pl.ds(row0, CHUNK)]

        for b in range(NBUF):
            fire_idx(b, chunk0 + b)
        for b in range(NBUF):
            fire_gathers(b, chunk0 + b)

        def body(g, carry):
            for b in range(NBUF):
                c = g * NBUF + b
                wait_gathers(b, chunk0 + c)
                fire_idx(b, chunk0 + c + NBUF)
                pltpu.async_copy(rows_v.at[b], out_slice(c), osems[b])
                pltpu.make_async_copy(
                    rows_v.at[b], out_slice(c), osems[b]
                ).wait()
                fire_gathers(b, chunk0 + c + NBUF)
            return carry

        lax.fori_loop(0, chunks_per_w // NBUF - 2, body, 0)

        c_pen = chunks_per_w - NBUF
        c_last = chunks_per_w - 1
        for b in range(NBUF):
            c = c_pen - NBUF + b
            wait_gathers(b, chunk0 + c)
            fire_idx(b, chunk0 + c + NBUF)
            pltpu.async_copy(rows_v.at[b], out_slice(c), osems[b])
            pltpu.make_async_copy(rows_v.at[b], out_slice(c), osems[b]).wait()
            if b == 0:
                fire_gathers(b, chunk0 + c_pen)
            else:
                pltpu.make_async_copy(
                    ids_hbm.at[chunk0 + c_last], idx_v.at[b], isems[b]
                ).wait()
                for t in range(TAIL_SPLIT):
                    pltpu.async_copy(
                        table_hbm.at[idx_v.at[b].at[pl.ds(t * TAIL, TAIL)]],
                        rows_v.at[b].at[pl.ds(t * TAIL, TAIL)],
                        tgsems[t],
                    )

        wait_gathers(0, chunk0 + c_pen)
        pltpu.async_copy(rows_v.at[0], out_slice(c_pen), osems[0])
        row_last = pl.multiple_of(base + c_last * CHUNK, CHUNK)
        for t in range(TAIL_SPLIT):
            pltpu.make_async_copy(
                table_hbm.at[idx_v.at[1].at[pl.ds(t * TAIL, TAIL)]],
                rows_v.at[1].at[pl.ds(t * TAIL, TAIL)],
                tgsems[t],
            ).wait()
            pltpu.async_copy(
                rows_v.at[1].at[pl.ds(t * TAIL, TAIL)],
                out_hbm.at[pl.ds(row_last + t * TAIL, TAIL)],
                tosems[t],
            )
        pltpu.make_async_copy(rows_v.at[0], out_slice(c_pen), osems[0]).wait()
        for t in range(TAIL_SPLIT):
            pltpu.make_async_copy(
                rows_v.at[1].at[pl.ds(t * TAIL, TAIL)],
                out_hbm.at[pl.ds(row_last + t * TAIL, TAIL)],
                tosems[t],
            ).wait()

    return k(ids3, table)


def kernel(ids, table):
    b, s, _ = ids.shape
    n = b * s
    n_per_w = n // NUM_WORKERS
    n_chunks = n // CHUNK
    ids3 = ids.reshape(n_chunks, CHUNK)
    out = _embed(ids3, table, n_per_w, n_chunks)
    return out.reshape(b, s, table.shape[1])

# --- scband reference (transcript-rebuilt; emitter-appended) ---
"""Pipeline reference for scband-embed-84911503442699 (READ-ONLY COPY).

The authoritative reference and input builder live on the scoring server;
editing this copy changes nothing except your own understanding.
"""

import jax, jax.numpy as jnp
import numpy as np

VOCAB = 1000000
EMBED_DIM = 32
BATCH = 4096
SEQ_LEN = 200


def setup_inputs(seed: int = 0) -> dict:
    key = jax.random.key(seed)
    k1, k2 = jax.random.split(key)
    ids = jax.random.randint(k1, (BATCH, SEQ_LEN, 1), 0, VOCAB, dtype=jnp.int32)
    # Learned embedding table sized per init_kwargs (num_embeddings, features)
    table = jax.random.normal(k2, (VOCAB, EMBED_DIM), dtype=jnp.float32) * 0.02
    return {"ids": ids, "table": table}


def reference(ids, table):
    # Faithful translation of the wrapper: assert 3D ids, drop last dim, embed.
    assert ids.ndim == 3, f"ids must have 3 dimensions, got {ids.ndim}"
    squeezed = ids[..., 0]
    # nnx.Embed lookup == row gather from the embedding table
    return jnp.take(table, squeezed, axis=0)

if __name__ == "__main__":
    import jax
    _d = setup_inputs()
    print(jax.jit(kernel)(*tuple(_d.values())))

</pallas_src>

<mosaic_0001>
#map = affine_map<(d0, d1) -> (0, 0)>
module attributes {stable_mosaic.version = 14 : i64} {
  func.func @k(%arg0: i32, %arg1: i32, %arg2: memref<512x1600xi32, #tpu.memory_space<hbm>>, %arg3: memref<1000000x32xf32, #tpu.memory_space<hbm>>, %arg4: memref<819200x32xf32, #tpu.memory_space<hbm>>, %arg5: memref<2x1600xi32, #tpu.memory_space<vmem>>, %arg6: memref<2x1600x32xf32, #tpu.memory_space<vmem>>, %arg7: memref<!tpu.dma_semaphore, #tpu.memory_space<semaphore_mem>>, %arg8: memref<!tpu.dma_semaphore, #tpu.memory_space<semaphore_mem>>, %arg9: memref<!tpu.dma_semaphore, #tpu.memory_space<semaphore_mem>>, %arg10: memref<!tpu.dma_semaphore, #tpu.memory_space<semaphore_mem>>, %arg11: memref<!tpu.dma_semaphore, #tpu.memory_space<semaphore_mem>>, %arg12: memref<!tpu.dma_semaphore, #tpu.memory_space<semaphore_mem>>, %arg13: memref<!tpu.dma_semaphore, #tpu.memory_space<semaphore_mem>>, %arg14: memref<!tpu.dma_semaphore, #tpu.memory_space<semaphore_mem>>, %arg15: memref<!tpu.dma_semaphore, #tpu.memory_space<semaphore_mem>>, %arg16: memref<!tpu.dma_semaphore, #tpu.memory_space<semaphore_mem>>, %arg17: memref<!tpu.dma_semaphore, #tpu.memory_space<semaphore_mem>>, %arg18: memref<!tpu.dma_semaphore, #tpu.memory_space<semaphore_mem>>, %arg19: memref<!tpu.dma_semaphore, #tpu.memory_space<semaphore_mem>>, %arg20: memref<!tpu.dma_semaphore, #tpu.memory_space<semaphore_mem>>) attributes {dimension_semantics = [#tpu.dimension_semantics<core_parallel>, #tpu.dimension_semantics<subcore_parallel>], iteration_bounds = array<i64: 2, 16>, scalar_prefetch = 0 : i64, scratch_operands = 16 : i64, tpu.core_type = #tpu.core_type<sc_vector_subcore>, window_params = [{transform_indices = #map}, {transform_indices = #map}, {transform_indices = #map}]} {
    %mul3A = arith.constant 2 : i32
    %mul3A_0 = arith.muli %arg1, %mul3A : i32
    %add3A = arith.addi %mul3A_0, %arg0 : i32
    %mul3A_1 = arith.constant 25600 : i32
    %mul3A_2 = arith.muli %add3A, %mul3A_1 : i32
    %mul3A_3 = arith.constant 16 : i32
    %mul3A_4 = arith.muli %add3A, %mul3A_3 : i32
    %add3A_5 = arith.constant 0 : i32
    %add3A_6 = arith.addi %mul3A_4, %add3A_5 : i32
    %dma_start3A = arith.constant 0 : i32
    %dma_start3A_7 = arith.constant 0 : i32
    %dma_start3A_8 = tpu.memref_slice %arg5[%dma_start3A, %dma_start3A_7] : memref<2x1600xi32, #tpu.memory_space<vmem>> -> memref<1x1600xi32, #tpu.memory_space<vmem>>
    %dma_start3A_9 = tpu.memref_squeeze %dma_start3A_8 : memref<1x1600xi32, #tpu.memory_space<vmem>> -> memref<1600xi32, #tpu.memory_space<vmem>>
    %dma_start3A_10 = arith.constant 0 : i32
    %dma_start3A_11 = tpu.memref_slice %arg2[%add3A_6, %dma_start3A_10] : memref<512x1600xi32, #tpu.memory_space<hbm>> -> memref<1x1600xi32, #tpu.memory_space<hbm>>
    %dma_start3A_12 = tpu.memref_squeeze %dma_start3A_11 : memref<1x1600xi32, #tpu.memory_space<hbm>> -> memref<1600xi32, #tpu.memory_space<hbm>>
    %dma_start3A_13 = arith.constant 0 : i32
    %dma_start3A_14 = tpu.memref_slice %arg5[%dma_start3A, %dma_start3A_13] : memref<2x1600xi32, #tpu.memory_space<vmem>> -> memref<1x1600xi32, #tpu.memory_space<vmem>>
    %dma_start3A_15 = tpu.memref_squeeze %dma_start3A_14 : memref<1x1600xi32, #tpu.memory_space<vmem>> -> memref<1600xi32, #tpu.memory_space<vmem>>
    %dma_start3A_16 = arith.constant 0 : i32
    %dma_start3A_17 = tpu.memref_slice %arg2[%add3A_6, %dma_start3A_16] : memref<512x1600xi32, #tpu.memory_space<hbm>> -> memref<1x1600xi32, #tpu.memory_space<hbm>>
    %dma_start3A_18 = tpu.memref_squeeze %dma_start3A_17 : memref<1x1600xi32, #tpu.memory_space<hbm>> -> memref<1600xi32, #tpu.memory_space<hbm>>
    tpu.enqueue_dma source(%dma_start3A_18 : memref<1600xi32, #tpu.memory_space<hbm>>) target(%dma_start3A_15 : memref<1600xi32, #tpu.memory_space<vmem>>) target_semaphore(%arg11 : memref<!tpu.dma_semaphore, #tpu.memory_space<semaphore_mem>>)
    %add3A_19 = arith.constant 1 : i32
    %add3A_20 = arith.addi %mul3A_4, %add3A_19 : i32
    %dma_start3A_21 = arith.constant 1 : i32
    %dma_start3A_22 = arith.constant 0 : i32
    %dma_start3A_23 = tpu.memref_slice %arg5[%dma_start3A_21, %dma_start3A_22] : memref<2x1600xi32, #tpu.memory_space<vmem>> -> memref<1x1600xi32, #tpu.memory_space<vmem>>
    %dma_start3A_24 = tpu.memref_squeeze %dma_start3A_23 : memref<1x1600xi32, #tpu.memory_space<vmem>> -> memref<1600xi32, #tpu.memory_space<vmem>>
    %dma_start3A_25 = arith.constant 0 : i32
    %dma_start3A_26 = tpu.memref_slice %arg2[%add3A_20, %dma_start3A_25] : memref<512x1600xi32, #tpu.memory_space<hbm>> -> memref<1x1600xi32, #tpu.memory_space<hbm>>
    %dma_start3A_27 = tpu.memref_squeeze %dma_start3A_26 : memref<1x1600xi32, #tpu.memory_space<hbm>> -> memref<1600xi32, #tpu.memory_space<hbm>>
    %dma_start3A_28 = arith.constant 0 : i32
    %dma_start3A_29 = tpu.memref_slice %arg5[%dma_start3A_21, %dma_start3A_28] : memref<2x1600xi32, #tpu.memory_space<vmem>> -> memref<1x1600xi32, #tpu.memory_space<vmem>>
    %dma_start3A_30 = tpu.memref_squeeze %dma_start3A_29 : memref<1x1600xi32, #tpu.memory_space<vmem>> -> memref<1600xi32, #tpu.memory_space<vmem>>
    %dma_start3A_31 = arith.constant 0 : i32
    %dma_start3A_32 = tpu.memref_slice %arg2[%add3A_20, %dma_start3A_31] : memref<512x1600xi32, #tpu.memory_space<hbm>> -> memref<1x1600xi32, #tpu.memory_space<hbm>>
    %dma_start3A_33 = tpu.memref_squeeze %dma_start3A_32 : memref<1x1600xi32, #tpu.memory_space<hbm>> -> memref<1600xi32, #tpu.memory_space<hbm>>
    tpu.enqueue_dma source(%dma_start3A_33 : memref<1600xi32, #tpu.memory_space<hbm>>) target(%dma_start3A_30 : memref<1600xi32, #tpu.memory_space<vmem>>) target_semaphore(%arg12 : memref<!tpu.dma_semaphore, #tpu.memory_space<semaphore_mem>>)
    %add3A_34 = arith.constant 0 : i32
    %add3A_35 = arith.addi %mul3A_4, %add3A_34 : i32
    %dma_wait3A = arith.constant 0 : i32
    %dma_wait3A_36 = arith.constant 0 : i32
    %dma_wait3A_37 = tpu.memref_slice %arg5[%dma_wait3A, %dma_wait3A_36] : memref<2x1600xi32, #tpu.memory_space<vmem>> -> memref<1x1600xi32, #tpu.memory_space<vmem>>
    %dma_wait3A_38 = tpu.memref_squeeze %dma_wait3A_37 : memref<1x1600xi32, #tpu.memory_space<vmem>> -> memref<1600xi32, #tpu.memory_space<vmem>>
    %dma_wait3A_39 = arith.constant 0 : i32
    %dma_wait3A_40 = tpu.memref_slice %arg2[%add3A_35, %dma_wait3A_39] : memref<512x1600xi32, #tpu.memory_space<hbm>> -> memref<1x1600xi32, #tpu.memory_space<hbm>>
    %dma_wait3A_41 = tpu.memref_squeeze %dma_wait3A_40 : memref<1x1600xi32, #tpu.memory_space<hbm>> -> memref<1600xi32, #tpu.memory_space<hbm>>
    %dma_wait3A_42 = arith.constant 0 : i32
    %dma_wait3A_43 = tpu.memref_slice %arg5[%dma_wait3A, %dma_wait3A_42] : memref<2x1600xi32, #tpu.memory_space<vmem>> -> memref<1x1600xi32, #tpu.memory_space<vmem>>
    %dma_wait3A_44 = tpu.memref_squeeze %dma_wait3A_43 : memref<1x1600xi32, #tpu.memory_space<vmem>> -> memref<1600xi32, #tpu.memory_space<vmem>>
    %dma_wait3A_45 = arith.constant 0 : i32
    %dma_wait3A_46 = tpu.memref_slice %arg2[%add3A_35, %dma_wait3A_45] : memref<512x1600xi32, #tpu.memory_space<hbm>> -> memref<1x1600xi32, #tpu.memory_space<hbm>>
    %dma_wait3A_47 = tpu.memref_squeeze %dma_wait3A_46 : memref<1x1600xi32, #tpu.memory_space<hbm>> -> memref<1600xi32, #tpu.memory_space<hbm>>
    tpu.wait_dma2 semaphore(%arg11 : memref<!tpu.dma_semaphore, #tpu.memory_space<semaphore_mem>>) src(%dma_wait3A_47 : memref<1600xi32, #tpu.memory_space<hbm>>) dst(%dma_wait3A_44 : memref<1600xi32, #tpu.memory_space<vmem>>)
    %dma_start3A_48 = arith.constant 0 : i32
    %dma_start3A_49 = arith.constant 0 : i32
    %dma_start3A_50 = arith.constant 0 : i32
    %dma_start3A_51 = arith.constant 0 : i32
    %dma_start3A_52 = tpu.memref_slice %arg6[%dma_start3A_49, %dma_start3A_50, %dma_start3A_51] : memref<2x1600x32xf32, #tpu.memory_space<vmem>> -> memref<1x1600x32xf32, #tpu.memory_space<vmem>>
    %dma_start3A_53 = tpu.memref_squeeze %dma_start3A_52 : memref<1x1600x32xf32, #tpu.memory_space<vmem>> -> memref<1600x32xf32, #tpu.memory_space<vmem>>
    %dma_start3A_54 = arith.constant 0 : i32
    %dma_start3A_55 = tpu.memref_slice %arg5[%dma_start3A_48, %dma_start3A_54] : memref<2x1600xi32, #tpu.memory_space<vmem>> -> memref<1x1600xi32, #tpu.memory_space<vmem>>
    %dma_start3A_56 = tpu.memref_squeeze %dma_start3A_55 : memref<1x1600xi32, #tpu.memory_space<vmem>> -> memref<1600xi32, #tpu.memory_space<vmem>>
    %dma_start3A_57 = arith.constant 0 : i32
    %dma_start3A_58 = arith.constant 0 : i32
    %dma_start3A_59 = tpu.memref_slice %arg3[%dma_start3A_57, %dma_start3A_58] : memref<1000000x32xf32, #tpu.memory_space<hbm>> -> memref<1000000x32xf32, #tpu.memory_space<hbm>>
    tpu.enqueue_indirect_dma source(%dma_start3A_59 : memref<1000000x32xf32, #tpu.memory_space<hbm>>) target(%dma_start3A_53 : memref<1600x32xf32, #tpu.memory_space<vmem>>) offsets(%dma_start3A_56 : memref<1600xi32, #tpu.memory_space<vmem>>) semaphore(%arg7 : memref<!tpu.dma_semaphore, #tpu.memory_space<semaphore_mem>>)
    %add3A_60 = arith.constant 1 : i32
    %add3A_61 = arith.addi %mul3A_4, %add3A_60 : i32
    %dma_wait3A_62 = arith.constant 1 : i32
    %dma_wait3A_63 = arith.constant 0 : i32
    %dma_wait3A_64 = tpu.memref_slice %arg5[%dma_wait3A_62, %dma_wait3A_63] : memref<2x1600xi32, #tpu.memory_space<vmem>> -> memref<1x1600xi32, #tpu.memory_space<vmem>>
    %dma_wait3A_65 = tpu.memref_squeeze %dma_wait3A_64 : memref<1x1600xi32, #tpu.memory_space<vmem>> -> memref<1600xi32, #tpu.memory_space<vmem>>
    %dma_wait3A_66 = arith.constant 0 : i32
    %dma_wait3A_67 = tpu.memref_slice %arg2[%add3A_61, %dma_wait3A_66] : memref<512x1600xi32, #tpu.memory_space<hbm>> -> memref<1x1600xi32, #tpu.memory_space<hbm>>
    %dma_wait3A_68 = tpu.memref_squeeze %dma_wait3A_67 : memref<1x1600xi32, #tpu.memory_space<hbm>> -> memref<1600xi32, #tpu.memory_space<hbm>>
    %dma_wait3A_69 = arith.constant 0 : i32
    %dma_wait3A_70 = tpu.memref_slice %arg5[%dma_wait3A_62, %dma_wait3A_69] : memref<2x1600xi32, #tpu.memory_space<vmem>> -> memref<1x1600xi32, #tpu.memory_space<vmem>>
    %dma_wait3A_71 = tpu.memref_squeeze %dma_wait3A_70 : memref<1x1600xi32, #tpu.memory_space<vmem>> -> memref<1600xi32, #tpu.memory_space<vmem>>
    %dma_wait3A_72 = arith.constant 0 : i32
    %dma_wait3A_73 = tpu.memref_slice %arg2[%add3A_61, %dma_wait3A_72] : memref<512x1600xi32, #tpu.memory_space<hbm>> -> memref<1x1600xi32, #tpu.memory_space<hbm>>
    %dma_wait3A_74 = tpu.memref_squeeze %dma_wait3A_73 : memref<1x1600xi32, #tpu.memory_space<hbm>> -> memref<1600xi32, #tpu.memory_space<hbm>>
    tpu.wait_dma2 semaphore(%arg12 : memref<!tpu.dma_semaphore, #tpu.memory_space<semaphore_mem>>) src(%dma_wait3A_74 : memref<1600xi32, #tpu.memory_space<hbm>>) dst(%dma_wait3A_71 : memref<1600xi32, #tpu.memory_space<vmem>>)
    %dma_start3A_75 = arith.constant 1 : i32
    %dma_start3A_76 = arith.constant 1 : i32
    %dma_start3A_77 = arith.constant 0 : i32
    %dma_start3A_78 = arith.constant 0 : i32
    %dma_start3A_79 = tpu.memref_slice %arg6[%dma_start3A_76, %dma_start3A_77, %dma_start3A_78] : memref<2x1600x32xf32, #tpu.memory_space<vmem>> -> memref<1x1600x32xf32, #tpu.memory_space<vmem>>
    %dma_start3A_80 = tpu.memref_squeeze %dma_start3A_79 : memref<1x1600x32xf32, #tpu.memory_space<vmem>> -> memref<1600x32xf32, #tpu.memory_space<vmem>>
    %dma_start3A_81 = arith.constant 0 : i32
    %dma_start3A_82 = tpu.memref_slice %arg5[%dma_start3A_75, %dma_start3A_81] : memref<2x1600xi32, #tpu.memory_space<vmem>> -> memref<1x1600xi32, #tpu.memory_space<vmem>>
    %dma_start3A_83 = tpu.memref_squeeze %dma_start3A_82 : memref<1x1600xi32, #tpu.memory_space<vmem>> -> memref<1600xi32, #tpu.memory_space<vmem>>
    %dma_start3A_84 = arith.constant 0 : i32
    %dma_start3A_85 = arith.constant 0 : i32
    %dma_start3A_86 = tpu.memref_slice %arg3[%dma_start3A_84, %dma_start3A_85] : memref<1000000x32xf32, #tpu.memory_space<hbm>> -> memref<1000000x32xf32, #tpu.memory_space<hbm>>
    tpu.enqueue_indirect_dma source(%dma_start3A_86 : memref<1000000x32xf32, #tpu.memory_space<hbm>>) target(%dma_start3A_80 : memref<1600x32xf32, #tpu.memory_space<vmem>>) offsets(%dma_start3A_83 : memref<1600xi32, #tpu.memory_space<vmem>>) semaphore(%arg8 : memref<!tpu.dma_semaphore, #tpu.memory_space<semaphore_mem>>)
    %scan3A = arith.constant 0 : i32
    %scan3A_87 = arith.constant 0 : i32
    %scan3A_88 = arith.constant 6 : i32
    %scan3A_89 = arith.addi %scan3A_87, %scan3A_88 : i32
    %scan3A_90 = arith.constant 1 : i32
    scf.for %scan3A_612 = %scan3A_87 to %scan3A_89 step %scan3A_90  : i32 {
      %mul3A_613 = arith.constant 2 : i32
      %mul3A_614 = arith.muli %scan3A_612, %mul3A_613 : i32
      %add3A_615 = arith.constant 0 : i32
      %add3A_616 = arith.addi %mul3A_614, %add3A_615 : i32
      %add3A_617 = arith.addi %mul3A_4, %add3A_616 : i32
      %dma_wait3A_618 = arith.constant 0 : i32
      %dma_wait3A_619 = arith.constant 0 : i32
      %dma_wait3A_620 = arith.constant 0 : i32
      %dma_wait3A_621 = arith.constant 0 : i32
      %dma_wait3A_622 = tpu.memref_slice %arg6[%dma_wait3A_619, %dma_wait3A_620, %dma_wait3A_621] : memref<2x1600x32xf32, #tpu.memory_space<vmem>> -> memref<1x1600x32xf32, #tpu.memory_space<vmem>>
      %dma_wait3A_623 = tpu.memref_squeeze %dma_wait3A_622 : memref<1x1600x32xf32, #tpu.memory_space<vmem>> -> memref<1600x32xf32, #tpu.memory_space<vmem>>
      %dma_wait3A_624 = arith.constant 0 : i32
      %dma_wait3A_625 = tpu.memref_slice %arg5[%dma_wait3A_618, %dma_wait3A_624] : memref<2x1600xi32, #tpu.memory_space<vmem>> -> memref<1x1600xi32, #tpu.memory_space<vmem>>
      %dma_wait3A_626 = tpu.memref_squeeze %dma_wait3A_625 : memref<1x1600xi32, #tpu.memory_space<vmem>> -> memref<1600xi32, #tpu.memory_space<vmem>>
      %dma_wait3A_627 = arith.constant 0 : i32
      %dma_wait3A_628 = arith.constant 0 : i32
      %dma_wait3A_629 = tpu.memref_slice %arg3[%dma_wait3A_627, %dma_wait3A_628] : memref<1000000x32xf32, #tpu.memory_space<hbm>> -> memref<1000000x32xf32, #tpu.memory_space<hbm>>
      tpu.wait_indirect_dma semaphore(%arg7 : memref<!tpu.dma_semaphore, #tpu.memory_space<semaphore_mem>>) src(%dma_wait3A_629 : memref<1000000x32xf32, #tpu.memory_space<hbm>>) dst(%dma_wait3A_623 : memref<1600x32xf32, #tpu.memory_space<vmem>>)
      %add3A_630 = arith.addi %mul3A_4, %add3A_616 : i32
      %add3A_631 = arith.constant 2 : i32
      %add3A_632 = arith.addi %add3A_630, %add3A_631 : i32
      %dma_start3A_633 = arith.constant 0 : i32
      %dma_start3A_634 = arith.constant 0 : i32
      %dma_start3A_635 = tpu.memref_slice %arg5[%dma_start3A_633, %dma_start3A_634] : memref<2x1600xi32, #tpu.memory_space<vmem>> -> memref<1x1600xi32, #tpu.memory_space<vmem>>
      %dma_start3A_636 = tpu.memref_squeeze %dma_start3A_635 : memref<1x1600xi32, #tpu.memory_space<vmem>> -> memref<1600xi32, #tpu.memory_space<vmem>>
      %dma_start3A_637 = arith.constant 0 : i32
      %dma_start3A_638 = tpu.memref_slice %arg2[%add3A_632, %dma_start3A_637] : memref<512x1600xi32, #tpu.memory_space<hbm>> -> memref<1x1600xi32, #tpu.memory_space<hbm>>
      %dma_start3A_639 = tpu.memref_squeeze %dma_start3A_638 : memref<1x1600xi32, #tpu.memory_space<hbm>> -> memref<1600xi32, #tpu.memory_space<hbm>>
      %dma_start3A_640 = arith.constant 0 : i32
      %dma_start3A_641 = tpu.memref_slice %arg5[%dma_start3A_633, %dma_start3A_640] : memref<2x1600xi32, #tpu.memory_space<vmem>> -> memref<1x1600xi32, #tpu.memory_space<vmem>>
      %dma_start3A_642 = tpu.memref_squeeze %dma_start3A_641 : memref<1x1600xi32, #tpu.memory_space<vmem>> -> memref<1600xi32, #tpu.memory_space<vmem>>
      %dma_start3A_643 = arith.constant 0 : i32
      %dma_start3A_644 = tpu.memref_slice %arg2[%add3A_632, %dma_start3A_643] : memref<512x1600xi32, #tpu.memory_space<hbm>> -> memref<1x1600xi32, #tpu.memory_space<hbm>>
      %dma_start3A_645 = tpu.memref_squeeze %dma_start3A_644 : memref<1x1600xi32, #tpu.memory_space<hbm>> -> memref<1600xi32, #tpu.memory_space<hbm>>
      tpu.enqueue_dma source(%dma_start3A_645 : memref<1600xi32, #tpu.memory_space<hbm>>) target(%dma_start3A_642 : memref<1600xi32, #tpu.memory_space<vmem>>) target_semaphore(%arg11 : memref<!tpu.dma_semaphore, #tpu.memory_space<semaphore_mem>>)
      %mul3A_646 = arith.constant 1600 : i32
      %mul3A_647 = arith.muli %add3A_616, %mul3A_646 : i32
      %add3A_648 = arith.addi %mul3A_2, %mul3A_647 : i32
      %multiple_of3A_649 = tpu.assume_multiple %add3A_648, 1600 : i32
      %dma_start3A_650 = arith.constant 0 : i32
      %dma_start3A_651 = arith.constant 0 : i32
      %dma_start3A_652 = arith.constant 0 : i32
      %dma_start3A_653 = tpu.memref_slice %arg6[%dma_start3A_650, %dma_start3A_651, %dma_start3A_652] : memref<2x1600x32xf32, #tpu.memory_space<vmem>> -> memref<1x1600x32xf32, #tpu.memory_space<vmem>>
      %dma_start3A_654 = tpu.memref_squeeze %dma_start3A_653 : memref<1x1600x32xf32, #tpu.memory_space<vmem>> -> memref<1600x32xf32, #tpu.memory_space<vmem>>
      %dma_start3A_655 = arith.constant 0 : i32
      %dma_start3A_656 = tpu.memref_slice %arg4[%multiple_of3A_649, %dma_start3A_655] : memref<819200x32xf32, #tpu.memory_space<hbm>> -> memref<1600x32xf32, #tpu.memory_space<hbm>>
      %dma_start3A_657 = arith.constant 0 : i32
      %dma_start3A_658 = tpu.memref_slice %arg4[%multiple_of3A_649, %dma_start3A_657] : memref<819200x32xf32, #tpu.memory_space<hbm>> -> memref<1600x32xf32, #tpu.memory_space<hbm>>
      %dma_start3A_659 = arith.constant 0 : i32
      %dma_start3A_660 = arith.constant 0 : i32
      %dma_start3A_661 = tpu.memref_slice %arg6[%dma_start3A_650, %dma_start3A_659, %dma_start3A_660] : memref<2x1600x32xf32, #tpu.memory_space<vmem>> -> memref<1x1600x32xf32, #tpu.memory_space<vmem>>
      %dma_start3A_662 = tpu.memref_squeeze %dma_start3A_661 : memref<1x1600x32xf32, #tpu.memory_space<vmem>> -> memref<1600x32xf32, #tpu.memory_space<vmem>>
      tpu.enqueue_dma source(%dma_start3A_662 : memref<1600x32xf32, #tpu.memory_space<vmem>>) target(%dma_start3A_658 : memref<1600x32xf32, #tpu.memory_space<hbm>>) target_semaphore(%arg9 : memref<!tpu.dma_semaphore, #tpu.memory_space<semaphore_mem>>)
      %mul3A_663 = arith.constant 1600 : i32
      %mul3A_664 = arith.muli %add3A_616, %mul3A_663 : i32
      %add3A_665 = arith.addi %mul3A_2, %mul3A_664 : i32
      %multiple_of3A_666 = tpu.assume_multiple %add3A_665, 1600 : i32
      %dma_wait3A_667 = arith.constant 0 : i32
      %dma_wait3A_668 = arith.constant 0 : i32
      %dma_wait3A_669 = arith.constant 0 : i32
      %dma_wait3A_670 = tpu.memref_slice %arg6[%dma_wait3A_667, %dma_wait3A_668, %dma_wait3A_669] : memref<2x1600x32xf32, #tpu.memory_space<vmem>> -> memref<1x1600x32xf32, #tpu.memory_space<vmem>>
      %dma_wait3A_671 = tpu.memref_squeeze %dma_wait3A_670 : memref<1x1600x32xf32, #tpu.memory_space<vmem>> -> memref<1600x32xf32, #tpu.memory_space<vmem>>
      %dma_wait3A_672 = arith.constant 0 : i32
      %dma_wait3A_673 = tpu.memref_slice %arg4[%multiple_of3A_666, %dma_wait3A_672] : memref<819200x32xf32, #tpu.memory_space<hbm>> -> memref<1600x32xf32, #tpu.memory_space<hbm>>
      %dma_wait3A_674 = arith.constant 0 : i32
      %dma_wait3A_675 = tpu.memref_slice %arg4[%multiple_of3A_666, %dma_wait3A_674] : memref<819200x32xf32, #tpu.memory_space<hbm>> -> memref<1600x32xf32, #tpu.memory_space<hbm>>
      %dma_wait3A_676 = arith.constant 0 : i32
      %dma_wait3A_677 = arith.constant 0 : i32
      %dma_wait3A_678 = tpu.memref_slice %arg6[%dma_wait3A_667, %dma_wait3A_676, %dma_wait3A_677] : memref<2x1600x32xf32, #tpu.memory_space<vmem>> -> memref<1x1600x32xf32, #tpu.memory_space<vmem>>
      %dma_wait3A_679 = tpu.memref_squeeze %dma_wait3A_678 : memref<1x1600x32xf32, #tpu.memory_space<vmem>> -> memref<1600x32xf32, #tpu.memory_space<vmem>>
      tpu.wait_dma2 semaphore(%arg9 : memref<!tpu.dma_semaphore, #tpu.memory_space<semaphore_mem>>) src(%dma_wait3A_679 : memref<1600x32xf32, #tpu.memory_space<vmem>>) dst(%dma_wait3A_675 : memref<1600x32xf32, #tpu.memory_space<hbm>>)
      %add3A_680 = arith.addi %mul3A_4, %add3A_616 : i32
      %add3A_681 = arith.constant 2 : i32
      %add3A_682 = arith.addi %add3A_680, %add3A_681 : i32
      %dma_wait3A_683 = arith.constant 0 : i32
      %dma_wait3A_684 = arith.constant 0 : i32
      %dma_wait3A_685 = tpu.memref_slice %arg5[%dma_wait3A_683, %dma_wait3A_684] : memref<2x1600xi32, #tpu.memory_space<vmem>> -> memref<1x1600xi32, #tpu.memory_space<vmem>>
      %dma_wait3A_686 = tpu.memref_squeeze %dma_wait3A_685 : memref<1x1600xi32, #tpu.memory_space<vmem>> -> memref<1600xi32, #tpu.memory_space<vmem>>
      %dma_wait3A_687 = arith.constant 0 : i32
      %dma_wait3A_688 = tpu.memref_slice %arg2[%add3A_682, %dma_wait3A_687] : memref<512x1600xi32, #tpu.memory_space<hbm>> -> memref<1x1600xi32, #tpu.memory_space<hbm>>
      %dma_wait3A_689 = tpu.memref_squeeze %dma_wait3A_688 : memref<1x1600xi32, #tpu.memory_space<hbm>> -> memref<1600xi32, #tpu.memory_space<hbm>>
      %dma_wait3A_690 = arith.constant 0 : i32
      %dma_wait3A_691 = tpu.memref_slice %arg5[%dma_wait3A_683, %dma_wait3A_690] : memref<2x1600xi32, #tpu.memory_space<vmem>> -> memref<1x1600xi32, #tpu.memory_space<vmem>>
      %dma_wait3A_692 = tpu.memref_squeeze %dma_wait3A_691 : memref<1x1600xi32, #tpu.memory_space<vmem>> -> memref<1600xi32, #tpu.memory_space<vmem>>
      %dma_wait3A_693 = arith.constant 0 : i32
      %dma_wait3A_694 = tpu.memref_slice %arg2[%add3A_682, %dma_wait3A_693] : memref<512x1600xi32, #tpu.memory_space<hbm>> -> memref<1x1600xi32, #tpu.memory_space<hbm>>
      %dma_wait3A_695 = tpu.memref_squeeze %dma_wait3A_694 : memref<1x1600xi32, #tpu.memory_space<hbm>> -> memref<1600xi32, #tpu.memory_space<hbm>>
      tpu.wait_dma2 semaphore(%arg11 : memref<!tpu.dma_semaphore, #tpu.memory_space<semaphore_mem>>) src(%dma_wait3A_695 : memref<1600xi32, #tpu.memory_space<hbm>>) dst(%dma_wait3A_692 : memref<1600xi32, #tpu.memory_space<vmem>>)
      %dma_start3A_696 = arith.constant 0 : i32
      %dma_start3A_697 = arith.constant 0 : i32
      %dma_start3A_698 = arith.constant 0 : i32
      %dma_start3A_699 = arith.constant 0 : i32
      %dma_start3A_700 = tpu.memref_slice %arg6[%dma_start3A_697, %dma_start3A_698, %dma_start3A_699] : memref<2x1600x32xf32, #tpu.memory_space<vmem>> -> memref<1x1600x32xf32, #tpu.memory_space<vmem>>
      %dma_start3A_701 = tpu.memref_squeeze %dma_start3A_700 : memref<1x1600x32xf32, #tpu.memory_space<vmem>> -> memref<1600x32xf32, #tpu.memory_space<vmem>>
      %dma_start3A_702 = arith.constant 0 : i32
      %dma_start3A_703 = tpu.memref_slice %arg5[%dma_start3A_696, %dma_start3A_702] : memref<2x1600xi32, #tpu.memory_space<vmem>> -> memref<1x1600xi32, #tpu.memory_space<vmem>>
      %dma_start3A_704 = tpu.memref_squeeze %dma_start3A_703 : memref<1x1600xi32, #tpu.memory_space<vmem>> -> memref<1600xi32, #tpu.memory_space<vmem>>
      %dma_start3A_705 = arith.constant 0 : i32
      %dma_start3A_706 = arith.constant 0 : i32
      %dma_start3A_707 = tpu.memref_slice %arg3[%dma_start3A_705, %dma_start3A_706] : memref<1000000x32xf32, #tpu.memory_space<hbm>> -> memref<1000000x32xf32, #tpu.memory_space<hbm>>
      tpu.enqueue_indirect_dma source(%dma_start3A_707 : memref<1000000x32xf32, #tpu.memory_space<hbm>>) target(%dma_start3A_701 : memref<1600x32xf32, #tpu.memory_space<vmem>>) offsets(%dma_start3A_704 : memref<1600xi32, #tpu.memory_space<vmem>>) semaphore(%arg7 : memref<!tpu.dma_semaphore, #tpu.memory_space<semaphore_mem>>)
      %mul3A_708 = arith.constant 2 : i32
      %mul3A_709 = arith.muli %scan3A_612, %mul3A_708 : i32
      %add3A_710 = arith.constant 1 : i32
      %add3A_711 = arith.addi %mul3A_709, %add3A_710 : i32
      %add3A_712 = arith.addi %mul3A_4, %add3A_711 : i32
      %dma_wait3A_713 = arith.constant 1 : i32
      %dma_wait3A_714 = arith.constant 1 : i32
      %dma_wait3A_715 = arith.constant 0 : i32
      %dma_wait3A_716 = arith.constant 0 : i32
      %dma_wait3A_717 = tpu.memref_slice %arg6[%dma_wait3A_714, %dma_wait3A_715, %dma_wait3A_716] : memref<2x1600x32xf32, #tpu.memory_space<vmem>> -> memref<1x1600x32xf32, #tpu.memory_space<vmem>>
      %dma_wait3A_718 = tpu.memref_squeeze %dma_wait3A_717 : memref<1x1600x32xf32, #tpu.memory_space<vmem>> -> memref<1600x32xf32, #tpu.memory_space<vmem>>
      %dma_wait3A_719 = arith.constant 0 : i32
      %dma_wait3A_720 = tpu.memref_slice %arg5[%dma_wait3A_713, %dma_wait3A_719] : memref<2x1600xi32, #tpu.memory_space<vmem>> -> memref<1x1600xi32, #tpu.memory_space<vmem>>
      %dma_wait3A_721 = tpu.memref_squeeze %dma_wait3A_720 : memref<1x1600xi32, #tpu.memory_space<vmem>> -> memref<1600xi32, #tpu.memory_space<vmem>>
      %dma_wait3A_722 = arith.constant 0 : i32
      %dma_wait3A_723 = arith.constant 0 : i32
      %dma_wait3A_724 = tpu.memref_slice %arg3[%dma_wait3A_722, %dma_wait3A_723] : memref<1000000x32xf32, #tpu.memory_space<hbm>> -> memref<1000000x32xf32, #tpu.memory_space<hbm>>
      tpu.wait_indirect_dma semaphore(%arg8 : memref<!tpu.dma_semaphore, #tpu.memory_space<semaphore_mem>>) src(%dma_wait3A_724 : memref<1000000x32xf32, #tpu.memory_space<hbm>>) dst(%dma_wait3A_718 : memref<1600x32xf32, #tpu.memory_space<vmem>>)
      %add3A_725 = arith.addi %mul3A_4, %add3A_711 : i32
      %add3A_726 = arith.constant 2 : i32
      %add3A_727 = arith.addi %add3A_725, %add3A_726 : i32
      %dma_start3A_728 = arith.constant 1 : i32
      %dma_start3A_729 = arith.constant 0 : i32
      %dma_start3A_730 = tpu.memref_slice %arg5[%dma_start3A_728, %dma_start3A_729] : memref<2x1600xi32, #tpu.memory_space<vmem>> -> memref<1x1600xi32, #tpu.memory_space<vmem>>
      %dma_start3A_731 = tpu.memref_squeeze %dma_start3A_730 : memref<1x1600xi32, #tpu.memory_space<vmem>> -> memref<1600xi32, #tpu.memory_space<vmem>>
      %dma_start3A_732 = arith.constant 0 : i32
      %dma_start3A_733 = tpu.memref_slice %arg2[%add3A_727, %dma_start3A_732] : memref<512x1600xi32, #tpu.memory_space<hbm>> -> memref<1x1600xi32, #tpu.memory_space<hbm>>
      %dma_start3A_734 = tpu.memref_squeeze %dma_start3A_733 : memref<1x1600xi32, #tpu.memory_space<hbm>> -> memref<1600xi32, #tpu.memory_space<hbm>>
      %dma_start3A_735 = arith.constant 0 : i32
      %dma_start3A_736 = tpu.memref_slice %arg5[%dma_start3A_728, %dma_start3A_735] : memref<2x1600xi32, #tpu.memory_space<vmem>> -> memref<1x1600xi32, #tpu.memory_space<vmem>>
      %dma_start3A_737 = tpu.memref_squeeze %dma_start3A_736 : memref<1x1600xi32, #tpu.memory_space<vmem>> -> memref<1600xi32, #tpu.memory_space<vmem>>
      %dma_start3A_738 = arith.constant 0 : i32
      %dma_start3A_739 = tpu.memref_slice %arg2[%add3A_727, %dma_start3A_738] : memref<512x1600xi32, #tpu.memory_space<hbm>> -> memref<1x1600xi32, #tpu.memory_space<hbm>>
      %dma_start3A_740 = tpu.memref_squeeze %dma_start3A_739 : memref<1x1600xi32, #tpu.memory_space<hbm>> -> memref<1600xi32, #tpu.memory_space<hbm>>
      tpu.enqueue_dma source(%dma_start3A_740 : memref<1600xi32, #tpu.memory_space<hbm>>) target(%dma_start3A_737 : memref<1600xi32, #tpu.memory_space<vmem>>) target_semaphore(%arg12 : memref<!tpu.dma_semaphore, #tpu.memory_space<semaphore_mem>>)
      %mul3A_741 = arith.constant 1600 : i32
      %mul3A_742 = arith.muli %add3A_711, %mul3A_741 : i32
      %add3A_743 = arith.addi %mul3A_2, %mul3A_742 : i32
      %multiple_of3A_744 = tpu.assume_multiple %add3A_743, 1600 : i32
      %dma_start3A_745 = arith.constant 1 : i32
      %dma_start3A_746 = arith.constant 0 : i32
      %dma_start3A_747 = arith.constant 0 : i32
      %dma_start3A_748 = tpu.memref_slice %arg6[%dma_start3A_745, %dma_start3A_746, %dma_start3A_747] : memref<2x1600x32xf32, #tpu.memory_space<vmem>> -> memref<1x1600x32xf32, #tpu.memory_space<vmem>>
      %dma_start3A_749 = tpu.memref_squeeze %dma_start3A_748 : memref<1x1600x32xf32, #tpu.memory_space<vmem>> -> memref<1600x32xf32, #tpu.memory_space<vmem>>
      %dma_start3A_750 = arith.constant 0 : i32
      %dma_start3A_751 = tpu.memref_slice %arg4[%multiple_of3A_744, %dma_start3A_750] : memref<819200x32xf32, #tpu.memory_space<hbm>> -> memref<1600x32xf32, #tpu.memory_space<hbm>>
      %dma_start3A_752 = arith.constant 0 : i32
      %dma_start3A_753 = tpu.memref_slice %arg4[%multiple_of3A_744, %dma_start3A_752] : memref<819200x32xf32, #tpu.memory_space<hbm>> -> memref<1600x32xf32, #tpu.memory_space<hbm>>
      %dma_start3A_754 = arith.constant 0 : i32
      %dma_start3A_755 = arith.constant 0 : i32
      %dma_start3A_756 = tpu.memref_slice %arg6[%dma_start3A_745, %dma_start3A_754, %dma_start3A_755] : memref<2x1600x32xf32, #tpu.memory_space<vmem>> -> memref<1x1600x32xf32, #tpu.memory_space<vmem>>
      %dma_start3A_757 = tpu.memref_squeeze %dma_start3A_756 : memref<1x1600x32xf32, #tpu.memory_space<vmem>> -> memref<1600x32xf32, #tpu.memory_space<vmem>>
      tpu.enqueue_dma source(%dma_start3A_757 : memref<1600x32xf32, #tpu.memory_space<vmem>>) target(%dma_start3A_753 : memref<1600x32xf32, #tpu.memory_space<hbm>>) target_semaphore(%arg10 : memref<!tpu.dma_semaphore, #tpu.memory_space<semaphore_mem>>)
      %mul3A_758 = arith.constant 1600 : i32
      %mul3A_759 = arith.muli %add3A_711, %mul3A_758 : i32
      %add3A_760 = arith.addi %mul3A_2, %mul3A_759 : i32
      %multiple_of3A_761 = tpu.assume_multiple %add3A_760, 1600 : i32
      %dma_wait3A_762 = arith.constant 1 : i32
      %dma_wait3A_763 = arith.constant 0 : i32
      %dma_wait3A_764 = arith.constant 0 : i32
      %dma_wait3A_765 = tpu.memref_slice %arg6[%dma_wait3A_762, %dma_wait3A_763, %dma_wait3A_764] : memref<2x1600x32xf32, #tpu.memory_space<vmem>> -> memref<1x1600x32xf32, #tpu.memory_space<vmem>>
      %dma_wait3A_766 = tpu.memref_squeeze %dma_wait3A_765 : memref<1x1600x32xf32, #tpu.memory_space<vmem>> -> memref<1600x32xf32, #tpu.memory_space<vmem>>
      %dma_wait3A_767 = arith.constant 0 : i32
      %dma_wait3A_768 = tpu.memref_slice %arg4[%multiple_of3A_761, %dma_wait3A_767] : memref<819200x32xf32, #tpu.memory_space<hbm>> -> memref<1600x32xf32, #tpu.memory_space<hbm>>
      %dma_wait3A_769 = arith.constant 0 : i32
      %dma_wait3A_770 = tpu.memref_slice %arg4[%multiple_of3A_761, %dma_wait3A_769] : memref<819200x32xf32, #tpu.memory_space<hbm>> -> memref<1600x32xf32, #tpu.memory_space<hbm>>
      %dma_wait3A_771 = arith.constant 0 : i32
      %dma_wait3A_772 = arith.constant 0 : i32
      %dma_wait3A_773 = tpu.memref_slice %arg6[%dma_wait3A_762, %dma_wait3A_771, %dma_wait3A_772] : memref<2x1600x32xf32, #tpu.memory_space<vmem>> -> memref<1x1600x32xf32, #tpu.memory_space<vmem>>
      %dma_wait3A_774 = tpu.memref_squeeze %dma_wait3A_773 : memref<1x1600x32xf32, #tpu.memory_space<vmem>> -> memref<1600x32xf32, #tpu.memory_space<vmem>>
      tpu.wait_dma2 semaphore(%arg10 : memref<!tpu.dma_semaphore, #tpu.memory_space<semaphore_mem>>) src(%dma_wait3A_774 : memref<1600x32xf32, #tpu.memory_space<vmem>>) dst(%dma_wait3A_770 : memref<1600x32xf32, #tpu.memory_space<hbm>>)
      %add3A_775 = arith.addi %mul3A_4, %add3A_711 : i32
      %add3A_776 = arith.constant 2 : i32
      %add3A_777 = arith.addi %add3A_775, %add3A_776 : i32
      %dma_wait3A_778 = arith.constant 1 : i32
      %dma_wait3A_779 = arith.constant 0 : i32
      %dma_wait3A_780 = tpu.memref_slice %arg5[%dma_wait3A_778, %dma_wait3A_779] : memref<2x1600xi32, #tpu.memory_space<vmem>> -> memref<1x1600xi32, #tpu.memory_space<vmem>>
      %dma_wait3A_781 = tpu.memref_squeeze %dma_wait3A_780 : memref<1x1600xi32, #tpu.memory_space<vmem>> -> memref<1600xi32, #tpu.memory_space<vmem>>
      %dma_wait3A_782 = arith.constant 0 : i32
      %dma_wait3A_783 = tpu.memref_slice %arg2[%add3A_777, %dma_wait3A_782] : memref<512x1600xi32, #tpu.memory_space<hbm>> -> memref<1x1600xi32, #tpu.memory_space<hbm>>
      %dma_wait3A_784 = tpu.memref_squeeze %dma_wait3A_783 : memref<1x1600xi32, #tpu.memory_space<hbm>> -> memref<1600xi32, #tpu.memory_space<hbm>>
      %dma_wait3A_785 = arith.constant 0 : i32
      %dma_wait3A_786 = tpu.memref_slice %arg5[%dma_wait3A_778, %dma_wait3A_785] : memref<2x1600xi32, #tpu.memory_space<vmem>> -> memref<1x1600xi32, #tpu.memory_space<vmem>>
      %dma_wait3A_787 = tpu.memref_squeeze %dma_wait3A_786 : memref<1x1600xi32, #tpu.memory_space<vmem>> -> memref<1600xi32, #tpu.memory_space<vmem>>
      %dma_wait3A_788 = arith.constant 0 : i32
      %dma_wait3A_789 = tpu.memref_slice %arg2[%add3A_777, %dma_wait3A_788] : memref<512x1600xi32, #tpu.memory_space<hbm>> -> memref<1x1600xi32, #tpu.memory_space<hbm>>
      %dma_wait3A_790 = tpu.memref_squeeze %dma_wait3A_789 : memref<1x1600xi32, #tpu.memory_space<hbm>> -> memref<1600xi32, #tpu.memory_space<hbm>>
      tpu.wait_dma2 semaphore(%arg12 : memref<!tpu.dma_semaphore, #tpu.memory_space<semaphore_mem>>) src(%dma_wait3A_790 : memref<1600xi32, #tpu.memory_space<hbm>>) dst(%dma_wait3A_787 : memref<1600xi32, #tpu.memory_space<vmem>>)
      %dma_start3A_791 = arith.constant 1 : i32
      %dma_start3A_792 = arith.constant 1 : i32
      %dma_start3A_793 = arith.constant 0 : i32
      %dma_start3A_794 = arith.constant 0 : i32
      %dma_start3A_795 = tpu.memref_slice %arg6[%dma_start3A_792, %dma_start3A_793, %dma_start3A_794] : memref<2x1600x32xf32, #tpu.memory_space<vmem>> -> memref<1x1600x32xf32, #tpu.memory_space<vmem>>
      %dma_start3A_796 = tpu.memref_squeeze %dma_start3A_795 : memref<1x1600x32xf32, #tpu.memory_space<vmem>> -> memref<1600x32xf32, #tpu.memory_space<vmem>>
      %dma_start3A_797 = arith.constant 0 : i32
      %dma_start3A_798 = tpu.memref_slice %arg5[%dma_start3A_791, %dma_start3A_797] : memref<2x1600xi32, #tpu.memory_space<vmem>> -> memref<1x1600xi32, #tpu.memory_space<vmem>>
      %dma_start3A_799 = tpu.memref_squeeze %dma_start3A_798 : memref<1x1600xi32, #tpu.memory_space<vmem>> -> memref<1600xi32, #tpu.memory_space<vmem>>
      %dma_start3A_800 = arith.constant 0 : i32
      %dma_start3A_801 = arith.constant 0 : i32
      %dma_start3A_802 = tpu.memref_slice %arg3[%dma_start3A_800, %dma_start3A_801] : memref<1000000x32xf32, #tpu.memory_space<hbm>> -> memref<1000000x32xf32, #tpu.memory_space<hbm>>
      tpu.enqueue_indirect_dma source(%dma_start3A_802 : memref<1000000x32xf32, #tpu.memory_space<hbm>>) target(%dma_start3A_796 : memref<1600x32xf32, #tpu.memory_space<vmem>>) offsets(%dma_start3A_799 : memref<1600xi32, #tpu.memory_space<vmem>>) semaphore(%arg8 : memref<!tpu.dma_semaphore, #tpu.memory_space<semaphore_mem>>)
    }
    %scan3A_91 = arith.constant 6 : i32
    %add3A_92 = arith.constant 12 : i32
    %add3A_93 = arith.addi %mul3A_4, %add3A_92 : i32
    %dma_wait3A_94 = arith.constant 0 : i32
    %dma_wait3A_95 = arith.constant 0 : i32
    %dma_wait3A_96 = arith.constant 0 : i32
    %dma_wait3A_97 = arith.constant 0 : i32
    %dma_wait3A_98 = tpu.memref_slice %arg6[%dma_wait3A_95, %dma_wait3A_96, %dma_wait3A_97] : memref<2x1600x32xf32, #tpu.memory_space<vmem>> -> memref<1x1600x32xf32, #tpu.memory_space<vmem>>
    %dma_wait3A_99 = tpu.memref_squeeze %dma_wait3A_98 : memref<1x1600x32xf32, #tpu.memory_space<vmem>> -> memref<1600x32xf32, #tpu.memory_space<vmem>>
    %dma_wait3A_100 = arith.constant 0 : i32
    %dma_wait3A_101 = tpu.memref_slice %arg5[%dma_wait3A_94, %dma_wait3A_100] : memref<2x1600xi32, #tpu.memory_space<vmem>> -> memref<1x1600xi32, #tpu.memory_space<vmem>>
    %dma_wait3A_102 = tpu.memref_squeeze %dma_wait3A_101 : memref<1x1600xi32, #tpu.memory_space<vmem>> -> memref<1600xi32, #tpu.memory_space<vmem>>
    %dma_wait3A_103 = arith.constant 0 : i32
    %dma_wait3A_104 = arith.constant 0 : i32
    %dma_wait3A_105 = tpu.memref_slice %arg3[%dma_wait3A_103, %dma_wait3A_104] : memref<1000000x32xf32, #tpu.memory_space<hbm>> -> memref<1000000x32xf32, #tpu.memory_space<hbm>>
    tpu.wait_indirect_dma semaphore(%arg7 : memref<!tpu.dma_semaphore, #tpu.memory_space<semaphore_mem>>) src(%dma_wait3A_105 : memref<1000000x32xf32, #tpu.memory_space<hbm>>) dst(%dma_wait3A_99 : memref<1600x32xf32, #tpu.memory_space<vmem>>)
    %add3A_106 = arith.constant 12 : i32
    %add3A_107 = arith.addi %mul3A_4, %add3A_106 : i32
    %add3A_108 = arith.constant 2 : i32
    %add3A_109 = arith.addi %add3A_107, %add3A_108 : i32
    %dma_start3A_110 = arith.constant 0 : i32
    %dma_start3A_111 = arith.constant 0 : i32
    %dma_start3A_112 = tpu.memref_slice %arg5[%dma_start3A_110, %dma_start3A_111] : memref<2x1600xi32, #tpu.memory_space<vmem>> -> memref<1x1600xi32, #tpu.memory_space<vmem>>
    %dma_start3A_113 = tpu.memref_squeeze %dma_start3A_112 : memref<1x1600xi32, #tpu.memory_space<vmem>> -> memref<1600xi32, #tpu.memory_space<vmem>>
    %dma_start3A_114 = arith.constant 0 : i32
    %dma_start3A_115 = tpu.memref_slice %arg2[%add3A_109, %dma_start3A_114] : memref<512x1600xi32, #tpu.memory_space<hbm>> -> memref<1x1600xi32, #tpu.memory_space<hbm>>
    %dma_start3A_116 = tpu.memref_squeeze %dma_start3A_115 : memref<1x1600xi32, #tpu.memory_space<hbm>> -> memref<1600xi32, #tpu.memory_space<hbm>>
    %dma_start3A_117 = arith.constant 0 : i32
    %dma_start3A_118 = tpu.memref_slice %arg5[%dma_start3A_110, %dma_start3A_117] : memref<2x1600xi32, #tpu.memory_space<vmem>> -> memref<1x1600xi32, #tpu.memory_space<vmem>>
    %dma_start3A_119 = tpu.memref_squeeze %dma_start3A_118 : memref<1x1600xi32, #tpu.memory_space<vmem>> -> memref<1600xi32, #tpu.memory_space<vmem>>
    %dma_start3A_120 = arith.constant 0 : i32
    %dma_start3A_121 = tpu.memref_slice %arg2[%add3A_109, %dma_start3A_120] : memref<512x1600xi32, #tpu.memory_space<hbm>> -> memref<1x1600xi32, #tpu.memory_space<hbm>>
    %dma_start3A_122 = tpu.memref_squeeze %dma_start3A_121 : memref<1x1600xi32, #tpu.memory_space<hbm>> -> memref<1600xi32, #tpu.memory_space<hbm>>
    tpu.enqueue_dma source(%dma_start3A_122 : memref<1600xi32, #tpu.memory_space<hbm>>) target(%dma_start3A_119 : memref<1600xi32, #tpu.memory_space<vmem>>) target_semaphore(%arg11 : memref<!tpu.dma_semaphore, #tpu.memory_space<semaphore_mem>>)
    %add3A_123 = arith.constant 19200 : i32
    %add3A_124 = arith.addi %mul3A_2, %add3A_123 : i32
    %multiple_of3A = tpu.assume_multiple %add3A_124, 1600 : i32
    %dma_start3A_125 = arith.constant 0 : i32
    %dma_start3A_126 = arith.constant 0 : i32
    %dma_start3A_127 = arith.constant 0 : i32
    %dma_start3A_128 = tpu.memref_slice %arg6[%dma_start3A_125, %dma_start3A_126, %dma_start3A_127] : memref<2x1600x32xf32, #tpu.memory_space<vmem>> -> memref<1x1600x32xf32, #tpu.memory_space<vmem>>
    %dma_start3A_129 = tpu.memref_squeeze %dma_start3A_128 : memref<1x1600x32xf32, #tpu.memory_space<vmem>> -> memref<1600x32xf32, #tpu.memory_space<vmem>>
    %dma_start3A_130 = arith.constant 0 : i32
    %dma_start3A_131 = tpu.memref_slice %arg4[%multiple_of3A, %dma_start3A_130] : memref<819200x32xf32, #tpu.memory_space<hbm>> -> memref<1600x32xf32, #tpu.memory_space<hbm>>
    %dma_start3A_132 = arith.constant 0 : i32
    %dma_start3A_133 = tpu.memref_slice %arg4[%multiple_of3A, %dma_start3A_132] : memref<819200x32xf32, #tpu.memory_space<hbm>> -> memref<1600x32xf32, #tpu.memory_space<hbm>>
    %dma_start3A_134 = arith.constant 0 : i32
    %dma_start3A_135 = arith.constant 0 : i32
    %dma_start3A_136 = tpu.memref_slice %arg6[%dma_start3A_125, %dma_start3A_134, %dma_start3A_135] : memref<2x1600x32xf32, #tpu.memory_space<vmem>> -> memref<1x1600x32xf32, #tpu.memory_space<vmem>>
    %dma_start3A_137 = tpu.memref_squeeze %dma_start3A_136 : memref<1x1600x32xf32, #tpu.memory_space<vmem>> -> memref<1600x32xf32, #tpu.memory_space<vmem>>
    tpu.enqueue_dma source(%dma_start3A_137 : memref<1600x32xf32, #tpu.memory_space<vmem>>) target(%dma_start3A_133 : memref<1600x32xf32, #tpu.memory_space<hbm>>) target_semaphore(%arg9 : memref<!tpu.dma_semaphore, #tpu.memory_space<semaphore_mem>>)
    %add3A_138 = arith.constant 19200 : i32
    %add3A_139 = arith.addi %mul3A_2, %add3A_138 : i32
    %multiple_of3A_140 = tpu.assume_multiple %add3A_139, 1600 : i32
    %dma_wait3A_141 = arith.constant 0 : i32
    %dma_wait3A_142 = arith.constant 0 : i32
    %dma_wait3A_143 = arith.constant 0 : i32
    %dma_wait3A_144 = tpu.memref_slice %arg6[%dma_wait3A_141, %dma_wait3A_142, %dma_wait3A_143] : memref<2x1600x32xf32, #tpu.memory_space<vmem>> -> memref<1x1600x32xf32, #tpu.memory_space<vmem>>
    %dma_wait3A_145 = tpu.memref_squeeze %dma_wait3A_144 : memref<1x1600x32xf32, #tpu.memory_space<vmem>> -> memref<1600x32xf32, #tpu.memory_space<vmem>>
    %dma_wait3A_146 = arith.constant 0 : i32
    %dma_wait3A_147 = tpu.memref_slice %arg4[%multiple_of3A_140, %dma_wait3A_146] : memref<819200x32xf32, #tpu.memory_space<hbm>> -> memref<1600x32xf32, #tpu.memory_space<hbm>>
    %dma_wait3A_148 = arith.constant 0 : i32
    %dma_wait3A_149 = tpu.memref_slice %arg4[%multiple_of3A_140, %dma_wait3A_148] : memref<819200x32xf32, #tpu.memory_space<hbm>> -> memref<1600x32xf32, #tpu.memory_space<hbm>>
    %dma_wait3A_150 = arith.constant 0 : i32
    %dma_wait3A_151 = arith.constant 0 : i32
    %dma_wait3A_152 = tpu.memref_slice %arg6[%dma_wait3A_141, %dma_wait3A_150, %dma_wait3A_151] : memref<2x1600x32xf32, #tpu.memory_space<vmem>> -> memref<1x1600x32xf32, #tpu.memory_space<vmem>>
    %dma_wait3A_153 = tpu.memref_squeeze %dma_wait3A_152 : memref<1x1600x32xf32, #tpu.memory_space<vmem>> -> memref<1600x32xf32, #tpu.memory_space<vmem>>
    tpu.wait_dma2 semaphore(%arg9 : memref<!tpu.dma_semaphore, #tpu.memory_space<semaphore_mem>>) src(%dma_wait3A_153 : memref<1600x32xf32, #tpu.memory_space<vmem>>) dst(%dma_wait3A_149 : memref<1600x32xf32, #tpu.memory_space<hbm>>)
    %add3A_154 = arith.constant 14 : i32
    %add3A_155 = arith.addi %mul3A_4, %add3A_154 : i32
    %dma_wait3A_156 = arith.constant 0 : i32
    %dma_wait3A_157 = arith.constant 0 : i32
    %dma_wait3A_158 = tpu.memref_slice %arg5[%dma_wait3A_156, %dma_wait3A_157] : memref<2x1600xi32, #tpu.memory_space<vmem>> -> memref<1x1600xi32, #tpu.memory_space<vmem>>
    %dma_wait3A_159 = tpu.memref_squeeze %dma_wait3A_158 : memref<1x1600xi32, #tpu.memory_space<vmem>> -> memref<1600xi32, #tpu.memory_space<vmem>>
    %dma_wait3A_160 = arith.constant 0 : i32
    %dma_wait3A_161 = tpu.memref_slice %arg2[%add3A_155, %dma_wait3A_160] : memref<512x1600xi32, #tpu.memory_space<hbm>> -> memref<1x1600xi32, #tpu.memory_space<hbm>>
    %dma_wait3A_162 = tpu.memref_squeeze %dma_wait3A_161 : memref<1x1600xi32, #tpu.memory_space<hbm>> -> memref<1600xi32, #tpu.memory_space<hbm>>
    %dma_wait3A_163 = arith.constant 0 : i32
    %dma_wait3A_164 = tpu.memref_slice %arg5[%dma_wait3A_156, %dma_wait3A_163] : memref<2x1600xi32, #tpu.memory_space<vmem>> -> memref<1x1600xi32, #tpu.memory_space<vmem>>
    %dma_wait3A_165 = tpu.memref_squeeze %dma_wait3A_164 : memref<1x1600xi32, #tpu.memory_space<vmem>> -> memref<1600xi32, #tpu.memory_space<vmem>>
    %dma_wait3A_166 = arith.constant 0 : i32
    %dma_wait3A_167 = tpu.memref_slice %arg2[%add3A_155, %dma_wait3A_166] : memref<512x1600xi32, #tpu.memory_space<hbm>> -> memref<1x1600xi32, #tpu.memory_space<hbm>>
    %dma_wait3A_168 = tpu.memref_squeeze %dma_wait3A_167 : memref<1x1600xi32, #tpu.memory_space<hbm>> -> memref<1600xi32, #tpu.memory_space<hbm>>
    tpu.wait_dma2 semaphore(%arg11 : memref<!tpu.dma_semaphore, #tpu.memory_space<semaphore_mem>>) src(%dma_wait3A_168 : memref<1600xi32, #tpu.memory_space<hbm>>) dst(%dma_wait3A_165 : memref<1600xi32, #tpu.memory_space<vmem>>)
    %dma_start3A_169 = arith.constant 0 : i32
    %dma_start3A_170 = arith.constant 0 : i32
    %dma_start3A_171 = arith.constant 0 : i32
    %dma_start3A_172 = arith.constant 0 : i32
    %dma_start3A_173 = tpu.memref_slice %arg6[%dma_start3A_170, %dma_start3A_171, %dma_start3A_172] : memref<2x1600x32xf32, #tpu.memory_space<vmem>> -> memref<1x1600x32xf32, #tpu.memory_space<vmem>>
    %dma_start3A_174 = tpu.memref_squeeze %dma_start3A_173 : memref<1x1600x32xf32, #tpu.memory_space<vmem>> -> memref<1600x32xf32, #tpu.memory_space<vmem>>
    %dma_start3A_175 = arith.constant 0 : i32
    %dma_start3A_176 = tpu.memref_slice %arg5[%dma_start3A_169, %dma_start3A_175] : memref<2x1600xi32, #tpu.memory_space<vmem>> -> memref<1x1600xi32, #tpu.memory_space<vmem>>
    %dma_start3A_177 = tpu.memref_squeeze %dma_start3A_176 : memref<1x1600xi32, #tpu.memory_space<vmem>> -> memref<1600xi32, #tpu.memory_space<vmem>>
    %dma_start3A_178 = arith.constant 0 : i32
    %dma_start3A_179 = arith.constant 0 : i32
    %dma_start3A_180 = tpu.memref_slice %arg3[%dma_start3A_178, %dma_start3A_179] : memref<1000000x32xf32, #tpu.memory_space<hbm>> -> memref<1000000x32xf32, #tpu.memory_space<hbm>>
    tpu.enqueue_indirect_dma source(%dma_start3A_180 : memref<1000000x32xf32, #tpu.memory_space<hbm>>) target(%dma_start3A_174 : memref<1600x32xf32, #tpu.memory_space<vmem>>) offsets(%dma_start3A_177 : memref<1600xi32, #tpu.memory_space<vmem>>) semaphore(%arg7 : memref<!tpu.dma_semaphore, #tpu.memory_space<semaphore_mem>>)
    %add3A_181 = arith.constant 13 : i32
    %add3A_182 = arith.addi %mul3A_4, %add3A_181 : i32
    %dma_wait3A_183 = arith.constant 1 : i32
    %dma_wait3A_184 = arith.constant 1 : i32
    %dma_wait3A_185 = arith.constant 0 : i32
    %dma_wait3A_186 = arith.constant 0 : i32
    %dma_wait3A_187 = tpu.memref_slice %arg6[%dma_wait3A_184, %dma_wait3A_185, %dma_wait3A_186] : memref<2x1600x32xf32, #tpu.memory_space<vmem>> -> memref<1x1600x32xf32, #tpu.memory_space<vmem>>
    %dma_wait3A_188 = tpu.memref_squeeze %dma_wait3A_187 : memref<1x1600x32xf32, #tpu.memory_space<vmem>> -> memref<1600x32xf32, #tpu.memory_space<vmem>>
    %dma_wait3A_189 = arith.constant 0 : i32
    %dma_wait3A_190 = tpu.memref_slice %arg5[%dma_wait3A_183, %dma_wait3A_189] : memref<2x1600xi32, #tpu.memory_space<vmem>> -> memref<1x1600xi32, #tpu.memory_space<vmem>>
    %dma_wait3A_191 = tpu.memref_squeeze %dma_wait3A_190 : memref<1x1600xi32, #tpu.memory_space<vmem>> -> memref<1600xi32, #tpu.memory_space<vmem>>
    %dma_wait3A_192 = arith.constant 0 : i32
    %dma_wait3A_193 = arith.constant 0 : i32
    %dma_wait3A_194 = tpu.memref_slice %arg3[%dma_wait3A_192, %dma_wait3A_193] : memref<1000000x32xf32, #tpu.memory_space<hbm>> -> memref<1000000x32xf32, #tpu.memory_space<hbm>>
    tpu.wait_indirect_dma semaphore(%arg8 : memref<!tpu.dma_semaphore, #tpu.memory_space<semaphore_mem>>) src(%dma_wait3A_194 : memref<1000000x32xf32, #tpu.memory_space<hbm>>) dst(%dma_wait3A_188 : memref<1600x32xf32, #tpu.memory_space<vmem>>)
    %add3A_195 = arith.constant 13 : i32
    %add3A_196 = arith.addi %mul3A_4, %add3A_195 : i32
    %add3A_197 = arith.constant 2 : i32
    %add3A_198 = arith.addi %add3A_196, %add3A_197 : i32
    %dma_start3A_199 = arith.constant 1 : i32
    %dma_start3A_200 = arith.constant 0 : i32
    %dma_start3A_201 = tpu.memref_slice %arg5[%dma_start3A_199, %dma_start3A_200] : memref<2x1600xi32, #tpu.memory_space<vmem>> -> memref<1x1600xi32, #tpu.memory_space<vmem>>
    %dma_start3A_202 = tpu.memref_squeeze %dma_start3A_201 : memref<1x1600xi32, #tpu.memory_space<vmem>> -> memref<1600xi32, #tpu.memory_space<vmem>>
    %dma_start3A_203 = arith.constant 0 : i32
    %dma_start3A_204 = tpu.memref_slice %arg2[%add3A_198, %dma_start3A_203] : memref<512x1600xi32, #tpu.memory_space<hbm>> -> memref<1x1600xi32, #tpu.memory_space<hbm>>
    %dma_start3A_205 = tpu.memref_squeeze %dma_start3A_204 : memref<1x1600xi32, #tpu.memory_space<hbm>> -> memref<1600xi32, #tpu.memory_space<hbm>>
    %dma_start3A_206 = arith.constant 0 : i32
    %dma_start3A_207 = tpu.memref_slice %arg5[%dma_start3A_199, %dma_start3A_206] : memref<2x1600xi32, #tpu.memory_space<vmem>> -> memref<1x1600xi32, #tpu.memory_space<vmem>>
    %dma_start3A_208 = tpu.memref_squeeze %dma_start3A_207 : memref<1x1600xi32, #tpu.memory_space<vmem>> -> memref<1600xi32, #tpu.memory_space<vmem>>
    %dma_start3A_209 = arith.constant 0 : i32
    %dma_start3A_210 = tpu.memref_slice %arg2[%add3A_198, %dma_start3A_209] : memref<512x1600xi32, #tpu.memory_space<hbm>> -> memref<1x1600xi32, #tpu.memory_space<hbm>>
    %dma_start3A_211 = tpu.memref_squeeze %dma_start3A_210 : memref<1x1600xi32, #tpu.memory_space<hbm>> -> memref<1600xi32, #tpu.memory_space<hbm>>
    tpu.enqueue_dma source(%dma_start3A_211 : memref<1600xi32, #tpu.memory_space<hbm>>) target(%dma_start3A_208 : memref<1600xi32, #tpu.memory_space<vmem>>) target_semaphore(%arg12 : memref<!tpu.dma_semaphore, #tpu.memory_space<semaphore_mem>>)
    %add3A_212 = arith.constant 20800 : i32
    %add3A_213 = arith.addi %mul3A_2, %add3A_212 : i32
    %multiple_of3A_214 = tpu.assume_multiple %add3A_213, 1600 : i32
    %dma_start3A_215 = arith.constant 1 : i32
    %dma_start3A_216 = arith.constant 0 : i32
    %dma_start3A_217 = arith.constant 0 : i32
    %dma_start3A_218 = tpu.memref_slice %arg6[%dma_start3A_215, %dma_start3A_216, %dma_start3A_217] : memref<2x1600x32xf32, #tpu.memory_space<vmem>> -> memref<1x1600x32xf32, #tpu.memory_space<vmem>>
    %dma_start3A_219 = tpu.memref_squeeze %dma_start3A_218 : memref<1x1600x32xf32, #tpu.memory_space<vmem>> -> memref<1600x32xf32, #tpu.memory_space<vmem>>
    %dma_start3A_220 = arith.constant 0 : i32
    %dma_start3A_221 = tpu.memref_slice %arg4[%multiple_of3A_214, %dma_start3A_220] : memref<819200x32xf32, #tpu.memory_space<hbm>> -> memref<1600x32xf32, #tpu.memory_space<hbm>>
    %dma_start3A_222 = arith.constant 0 : i32
    %dma_start3A_223 = tpu.memref_slice %arg4[%multiple_of3A_214, %dma_start3A_222] : memref<819200x32xf32, #tpu.memory_space<hbm>> -> memref<1600x32xf32, #tpu.memory_space<hbm>>
    %dma_start3A_224 = arith.constant 0 : i32
    %dma_start3A_225 = arith.constant 0 : i32
    %dma_start3A_226 = tpu.memref_slice %arg6[%dma_start3A_215, %dma_start3A_224, %dma_start3A_225] : memref<2x1600x32xf32, #tpu.memory_space<vmem>> -> memref<1x1600x32xf32, #tpu.memory_space<vmem>>
    %dma_start3A_227 = tpu.memref_squeeze %dma_start3A_226 : memref<1x1600x32xf32, #tpu.memory_space<vmem>> -> memref<1600x32xf32, #tpu.memory_space<vmem>>
    tpu.enqueue_dma source(%dma_start3A_227 : memref<1600x32xf32, #tpu.memory_space<vmem>>) target(%dma_start3A_223 : memref<1600x32xf32, #tpu.memory_space<hbm>>) target_semaphore(%arg10 : memref<!tpu.dma_semaphore, #tpu.memory_space<semaphore_mem>>)
    %add3A_228 = arith.constant 20800 : i32
    %add3A_229 = arith.addi %mul3A_2, %add3A_228 : i32
    %multiple_of3A_230 = tpu.assume_multiple %add3A_229, 1600 : i32
    %dma_wait3A_231 = arith.constant 1 : i32
    %dma_wait3A_232 = arith.constant 0 : i32
    %dma_wait3A_233 = arith.constant 0 : i32
    %dma_wait3A_234 = tpu.memref_slice %arg6[%dma_wait3A_231, %dma_wait3A_232, %dma_wait3A_233] : memref<2x1600x32xf32, #tpu.memory_space<vmem>> -> memref<1x1600x32xf32, #tpu.memory_space<vmem>>
    %dma_wait3A_235 = tpu.memref_squeeze %dma_wait3A_234 : memref<1x1600x32xf32, #tpu.memory_space<vmem>> -> memref<1600x32xf32, #tpu.memory_space<vmem>>
    %dma_wait3A_236 = arith.constant 0 : i32
    %dma_wait3A_237 = tpu.memref_slice %arg4[%multiple_of3A_230, %dma_wait3A_236] : memref<819200x32xf32, #tpu.memory_space<hbm>> -> memref<1600x32xf32, #tpu.memory_space<hbm>>
    %dma_wait3A_238 = arith.constant 0 : i32
    %dma_wait3A_239 = tpu.memref_slice %arg4[%multiple_of3A_230, %dma_wait3A_238] : memref<819200x32xf32, #tpu.memory_space<hbm>> -> memref<1600x32xf32, #tpu.memory_space<hbm>>
    %dma_wait3A_240 = arith.constant 0 : i32
    %dma_wait3A_241 = arith.constant 0 : i32
    %dma_wait3A_242 = tpu.memref_slice %arg6[%dma_wait3A_231, %dma_wait3A_240, %dma_wait3A_241] : memref<2x1600x32xf32, #tpu.memory_space<vmem>> -> memref<1x1600x32xf32, #tpu.memory_space<vmem>>
    %dma_wait3A_243 = tpu.memref_squeeze %dma_wait3A_242 : memref<1x1600x32xf32, #tpu.memory_space<vmem>> -> memref<1600x32xf32, #tpu.memory_space<vmem>>
    tpu.wait_dma2 semaphore(%arg10 : memref<!tpu.dma_semaphore, #tpu.memory_space<semaphore_mem>>) src(%dma_wait3A_243 : memref<1600x32xf32, #tpu.memory_space<vmem>>) dst(%dma_wait3A_239 : memref<1600x32xf32, #tpu.memory_space<hbm>>)
    %add3A_244 = arith.constant 15 : i32
    %add3A_245 = arith.addi %mul3A_4, %add3A_244 : i32
    %dma_wait3A_246 = arith.constant 1 : i32
    %dma_wait3A_247 = arith.constant 0 : i32
    %dma_wait3A_248 = tpu.memref_slice %arg5[%dma_wait3A_246, %dma_wait3A_247] : memref<2x1600xi32, #tpu.memory_space<vmem>> -> memref<1x1600xi32, #tpu.memory_space<vmem>>
    %dma_wait3A_249 = tpu.memref_squeeze %dma_wait3A_248 : memref<1x1600xi32, #tpu.memory_space<vmem>> -> memref<1600xi32, #tpu.memory_space<vmem>>
    %dma_wait3A_250 = arith.constant 0 : i32
    %dma_wait3A_251 = tpu.memref_slice %arg2[%add3A_245, %dma_wait3A_250] : memref<512x1600xi32, #tpu.memory_space<hbm>> -> memref<1x1600xi32, #tpu.memory_space<hbm>>
    %dma_wait3A_252 = tpu.memref_squeeze %dma_wait3A_251 : memref<1x1600xi32, #tpu.memory_space<hbm>> -> memref<1600xi32, #tpu.memory_space<hbm>>
    %dma_wait3A_253 = arith.constant 0 : i32
    %dma_wait3A_254 = tpu.memref_slice %arg5[%dma_wait3A_246, %dma_wait3A_253] : memref<2x1600xi32, #tpu.memory_space<vmem>> -> memref<1x1600xi32, #tpu.memory_space<vmem>>
    %dma_wait3A_255 = tpu.memref_squeeze %dma_wait3A_254 : memref<1x1600xi32, #tpu.memory_space<vmem>> -> memref<1600xi32, #tpu.memory_space<vmem>>
    %dma_wait3A_256 = arith.constant 0 : i32
    %dma_wait3A_257 = tpu.memref_slice %arg2[%add3A_245, %dma_wait3A_256] : memref<512x1600xi32, #tpu.memory_space<hbm>> -> memref<1x1600xi32, #tpu.memory_space<hbm>>
    %dma_wait3A_258 = tpu.memref_squeeze %dma_wait3A_257 : memref<1x1600xi32, #tpu.memory_space<hbm>> -> memref<1600xi32, #tpu.memory_space<hbm>>
    tpu.wait_dma2 semaphore(%arg12 : memref<!tpu.dma_semaphore, #tpu.memory_space<semaphore_mem>>) src(%dma_wait3A_258 : memref<1600xi32, #tpu.memory_space<hbm>>) dst(%dma_wait3A_255 : memref<1600xi32, #tpu.memory_space<vmem>>)
    %dma_start3A_259 = arith.constant 1 : i32
    %dma_start3A_260 = arith.constant 1 : i32
    %dma_start3A_261 = arith.constant 0 : i32
    %dma_start3A_262 = arith.constant 0 : i32
    %dma_start3A_263 = tpu.memref_slice %arg6[%dma_start3A_260, %dma_start3A_261, %dma_start3A_262] : memref<2x1600x32xf32, #tpu.memory_space<vmem>> -> memref<1x1600x32xf32, #tpu.memory_space<vmem>>
    %dma_start3A_264 = tpu.memref_squeeze %dma_start3A_263 : memref<1x1600x32xf32, #tpu.memory_space<vmem>> -> memref<1600x32xf32, #tpu.memory_space<vmem>>
    %dma_start3A_265 = arith.constant 0 : i32
    %dma_start3A_266 = arith.constant 0 : i32
    %dma_start3A_267 = tpu.memref_slice %dma_start3A_264[%dma_start3A_265, %dma_start3A_266] : memref<1600x32xf32, #tpu.memory_space<vmem>> -> memref<400x32xf32, #tpu.memory_space<vmem>>
    %dma_start3A_268 = arith.constant 0 : i32
    %dma_start3A_269 = tpu.memref_slice %arg5[%dma_start3A_259, %dma_start3A_268] : memref<2x1600xi32, #tpu.memory_space<vmem>> -> memref<1x1600xi32, #tpu.memory_space<vmem>>
    %dma_start3A_270 = tpu.memref_squeeze %dma_start3A_269 : memref<1x1600xi32, #tpu.memory_space<vmem>> -> memref<1600xi32, #tpu.memory_space<vmem>>
    %dma_start3A_271 = arith.constant 0 : i32
    %dma_start3A_272 = tpu.memref_slice %dma_start3A_270[%dma_start3A_271] : memref<1600xi32, #tpu.memory_space<vmem>> -> memref<400xi32, #tpu.memory_space<vmem>>
    %dma_start3A_273 = arith.constant 0 : i32
    %dma_start3A_274 = arith.constant 0 : i32
    %dma_start3A_275 = tpu.memref_slice %arg3[%dma_start3A_273, %dma_start3A_274] : memref<1000000x32xf32, #tpu.memory_space<hbm>> -> memref<1000000x32xf32, #tpu.memory_space<hbm>>
    tpu.enqueue_indirect_dma source(%dma_start3A_275 : memref<1000000x32xf32, #tpu.memory_space<hbm>>) target(%dma_start3A_267 : memref<400x32xf32, #tpu.memory_space<vmem>>) offsets(%dma_start3A_272 : memref<400xi32, #tpu.memory_space<vmem>>) semaphore(%arg13 : memref<!tpu.dma_semaphore, #tpu.memory_space<semaphore_mem>>)
    %dma_start3A_276 = arith.constant 1 : i32
    %dma_start3A_277 = arith.constant 1 : i32
    %dma_start3A_278 = arith.constant 0 : i32
    %dma_start3A_279 = arith.constant 0 : i32
    %dma_start3A_280 = tpu.memref_slice %arg6[%dma_start3A_277, %dma_start3A_278, %dma_start3A_279] : memref<2x1600x32xf32, #tpu.memory_space<vmem>> -> memref<1x1600x32xf32, #tpu.memory_space<vmem>>
    %dma_start3A_281 = tpu.memref_squeeze %dma_start3A_280 : memref<1x1600x32xf32, #tpu.memory_space<vmem>> -> memref<1600x32xf32, #tpu.memory_space<vmem>>
    %dma_start3A_282 = arith.constant 400 : i32
    %dma_start3A_283 = arith.constant 0 : i32
    %dma_start3A_284 = tpu.memref_slice %dma_start3A_281[%dma_start3A_282, %dma_start3A_283] : memref<1600x32xf32, #tpu.memory_space<vmem>> -> memref<400x32xf32, #tpu.memory_space<vmem>>
    %dma_start3A_285 = arith.constant 0 : i32
    %dma_start3A_286 = tpu.memref_slice %arg5[%dma_start3A_276, %dma_start3A_285] : memref<2x1600xi32, #tpu.memory_space<vmem>> -> memref<1x1600xi32, #tpu.memory_space<vmem>>
    %dma_start3A_287 = tpu.memref_squeeze %dma_start3A_286 : memref<1x1600xi32, #tpu.memory_space<vmem>> -> memref<1600xi32, #tpu.memory_space<vmem>>
    %dma_start3A_288 = arith.constant 400 : i32
    %dma_start3A_289 = tpu.memref_slice %dma_start3A_287[%dma_start3A_288] : memref<1600xi32, #tpu.memory_space<vmem>> -> memref<400xi32, #tpu.memory_space<vmem>>
    %dma_start3A_290 = arith.constant 0 : i32
    %dma_start3A_291 = arith.constant 0 : i32
    %dma_start3A_292 = tpu.memref_slice %arg3[%dma_start3A_290, %dma_start3A_291] : memref<1000000x32xf32, #tpu.memory_space<hbm>> -> memref<1000000x32xf32, #tpu.memory_space<hbm>>
    tpu.enqueue_indirect_dma source(%dma_start3A_292 : memref<1000000x32xf32, #tpu.memory_space<hbm>>) target(%dma_start3A_284 : memref<400x32xf32, #tpu.memory_space<vmem>>) offsets(%dma_start3A_289 : memref<400xi32, #tpu.memory_space<vmem>>) semaphore(%arg14 : memref<!tpu.dma_semaphore, #tpu.memory_space<semaphore_mem>>)
    %dma_start3A_293 = arith.constant 1 : i32
    %dma_start3A_294 = arith.constant 1 : i32
    %dma_start3A_295 = arith.constant 0 : i32
    %dma_start3A_296 = arith.constant 0 : i32
    %dma_start3A_297 = tpu.memref_slice %arg6[%dma_start3A_294, %dma_start3A_295, %dma_start3A_296] : memref<2x1600x32xf32, #tpu.memory_space<vmem>> -> memref<1x1600x32xf32, #tpu.memory_space<vmem>>
    %dma_start3A_298 = tpu.memref_squeeze %dma_start3A_297 : memref<1x1600x32xf32, #tpu.memory_space<vmem>> -> memref<1600x32xf32, #tpu.memory_space<vmem>>
    %dma_start3A_299 = arith.constant 800 : i32
    %dma_start3A_300 = arith.constant 0 : i32
    %dma_start3A_301 = tpu.memref_slice %dma_start3A_298[%dma_start3A_299, %dma_start3A_300] : memref<1600x32xf32, #tpu.memory_space<vmem>> -> memref<400x32xf32, #tpu.memory_space<vmem>>
    %dma_start3A_302 = arith.constant 0 : i32
    %dma_start3A_303 = tpu.memref_slice %arg5[%dma_start3A_293, %dma_start3A_302] : memref<2x1600xi32, #tpu.memory_space<vmem>> -> memref<1x1600xi32, #tpu.memory_space<vmem>>
    %dma_start3A_304 = tpu.memref_squeeze %dma_start3A_303 : memref<1x1600xi32, #tpu.memory_space<vmem>> -> memref<1600xi32, #tpu.memory_space<vmem>>
    %dma_start3A_305 = arith.constant 800 : i32
    %dma_start3A_306 = tpu.memref_slice %dma_start3A_304[%dma_start3A_305] : memref<1600xi32, #tpu.memory_space<vmem>> -> memref<400xi32, #tpu.memory_space<vmem>>
    %dma_start3A_307 = arith.constant 0 : i32
    %dma_start3A_308 = arith.constant 0 : i32
    %dma_start3A_309 = tpu.memref_slice %arg3[%dma_start3A_307, %dma_start3A_308] : memref<1000000x32xf32, #tpu.memory_space<hbm>> -> memref<1000000x32xf32, #tpu.memory_space<hbm>>
    tpu.enqueue_indirect_dma source(%dma_start3A_309 : memref<1000000x32xf32, #tpu.memory_space<hbm>>) target(%dma_start3A_301 : memref<400x32xf32, #tpu.memory_space<vmem>>) offsets(%dma_start3A_306 : memref<400xi32, #tpu.memory_space<vmem>>) semaphore(%arg15 : memref<!tpu.dma_semaphore, #tpu.memory_space<semaphore_mem>>)
    %dma_start3A_310 = arith.constant 1 : i32
    %dma_start3A_311 = arith.constant 1 : i32
    %dma_start3A_312 = arith.constant 0 : i32
    %dma_start3A_313 = arith.constant 0 : i32
    %dma_start3A_314 = tpu.memref_slice %arg6[%dma_start3A_311, %dma_start3A_312, %dma_start3A_313] : memref<2x1600x32xf32, #tpu.memory_space<vmem>> -> memref<1x1600x32xf32, #tpu.memory_space<vmem>>
    %dma_start3A_315 = tpu.memref_squeeze %dma_start3A_314 : memref<1x1600x32xf32, #tpu.memory_space<vmem>> -> memref<1600x32xf32, #tpu.memory_space<vmem>>
    %dma_start3A_316 = arith.constant 1200 : i32
    %dma_start3A_317 = arith.constant 0 : i32
    %dma_start3A_318 = tpu.memref_slice %dma_start3A_315[%dma_start3A_316, %dma_start3A_317] : memref<1600x32xf32, #tpu.memory_space<vmem>> -> memref<400x32xf32, #tpu.memory_space<vmem>>
    %dma_start3A_319 = arith.constant 0 : i32
    %dma_start3A_320 = tpu.memref_slice %arg5[%dma_start3A_310, %dma_start3A_319] : memref<2x1600xi32, #tpu.memory_space<vmem>> -> memref<1x1600xi32, #tpu.memory_space<vmem>>
    %dma_start3A_321 = tpu.memref_squeeze %dma_start3A_320 : memref<1x1600xi32, #tpu.memory_space<vmem>> -> memref<1600xi32, #tpu.memory_space<vmem>>
    %dma_start3A_322 = arith.constant 1200 : i32
    %dma_start3A_323 = tpu.memref_slice %dma_start3A_321[%dma_start3A_322] : memref<1600xi32, #tpu.memory_space<vmem>> -> memref<400xi32, #tpu.memory_space<vmem>>
    %dma_start3A_324 = arith.constant 0 : i32
    %dma_start3A_325 = arith.constant 0 : i32
    %dma_start3A_326 = tpu.memref_slice %arg3[%dma_start3A_324, %dma_start3A_325] : memref<1000000x32xf32, #tpu.memory_space<hbm>> -> memref<1000000x32xf32, #tpu.memory_space<hbm>>
    tpu.enqueue_indirect_dma source(%dma_start3A_326 : memref<1000000x32xf32, #tpu.memory_space<hbm>>) target(%dma_start3A_318 : memref<400x32xf32, #tpu.memory_space<vmem>>) offsets(%dma_start3A_323 : memref<400xi32, #tpu.memory_space<vmem>>) semaphore(%arg16 : memref<!tpu.dma_semaphore, #tpu.memory_space<semaphore_mem>>)
    %add3A_327 = arith.constant 14 : i32
    %add3A_328 = arith.addi %mul3A_4, %add3A_327 : i32
    %dma_wait3A_329 = arith.constant 0 : i32
    %dma_wait3A_330 = arith.constant 0 : i32
    %dma_wait3A_331 = arith.constant 0 : i32
    %dma_wait3A_332 = arith.constant 0 : i32
    %dma_wait3A_333 = tpu.memref_slice %arg6[%dma_wait3A_330, %dma_wait3A_331, %dma_wait3A_332] : memref<2x1600x32xf32, #tpu.memory_space<vmem>> -> memref<1x1600x32xf32, #tpu.memory_space<vmem>>
    %dma_wait3A_334 = tpu.memref_squeeze %dma_wait3A_333 : memref<1x1600x32xf32, #tpu.memory_space<vmem>> -> memref<1600x32xf32, #tpu.memory_space<vmem>>
    %dma_wait3A_335 = arith.constant 0 : i32
    %dma_wait3A_336 = tpu.memref_slice %arg5[%dma_wait3A_329, %dma_wait3A_335] : memref<2x1600xi32, #tpu.memory_space<vmem>> -> memref<1x1600xi32, #tpu.memory_space<vmem>>
    %dma_wait3A_337 = tpu.memref_squeeze %dma_wait3A_336 : memref<1x1600xi32, #tpu.memory_space<vmem>> -> memref<1600xi32, #tpu.memory_space<vmem>>
    %dma_wait3A_338 = arith.constant 0 : i32
    %dma_wait3A_339 = arith.constant 0 : i32
    %dma_wait3A_340 = tpu.memref_slice %arg3[%dma_wait3A_338, %dma_wait3A_339] : memref<1000000x32xf32, #tpu.memory_space<hbm>> -> memref<1000000x32xf32, #tpu.memory_space<hbm>>
    tpu.wait_indirect_dma semaphore(%arg7 : memref<!tpu.dma_semaphore, #tpu.memory_space<semaphore_mem>>) src(%dma_wait3A_340 : memref<1000000x32xf32, #tpu.memory_space<hbm>>) dst(%dma_wait3A_334 : memref<1600x32xf32, #tpu.memory_space<vmem>>)
    %add3A_341 = arith.constant 22400 : i32
    %add3A_342 = arith.addi %mul3A_2, %add3A_341 : i32
    %multiple_of3A_343 = tpu.assume_multiple %add3A_342, 1600 : i32
    %dma_start3A_344 = arith.constant 0 : i32
    %dma_start3A_345 = arith.constant 0 : i32
    %dma_start3A_346 = arith.constant 0 : i32
    %dma_start3A_347 = tpu.memref_slice %arg6[%dma_start3A_344, %dma_start3A_345, %dma_start3A_346] : memref<2x1600x32xf32, #tpu.memory_space<vmem>> -> memref<1x1600x32xf32, #tpu.memory_space<vmem>>
    %dma_start3A_348 = tpu.memref_squeeze %dma_start3A_347 : memref<1x1600x32xf32, #tpu.memory_space<vmem>> -> memref<1600x32xf32, #tpu.memory_space<vmem>>
    %dma_start3A_349 = arith.constant 0 : i32
    %dma_start3A_350 = tpu.memref_slice %arg4[%multiple_of3A_343, %dma_start3A_349] : memref<819200x32xf32, #tpu.memory_space<hbm>> -> memref<1600x32xf32, #tpu.memory_space<hbm>>
    %dma_start3A_351 = arith.constant 0 : i32
    %dma_start3A_352 = tpu.memref_slice %arg4[%multiple_of3A_343, %dma_start3A_351] : memref<819200x32xf32, #tpu.memory_space<hbm>> -> memref<1600x32xf32, #tpu.memory_space<hbm>>
    %dma_start3A_353 = arith.constant 0 : i32
    %dma_start3A_354 = arith.constant 0 : i32
    %dma_start3A_355 = tpu.memref_slice %arg6[%dma_start3A_344, %dma_start3A_353, %dma_start3A_354] : memref<2x1600x32xf32, #tpu.memory_space<vmem>> -> memref<1x1600x32xf32, #tpu.memory_space<vmem>>
    %dma_start3A_356 = tpu.memref_squeeze %dma_start3A_355 : memref<1x1600x32xf32, #tpu.memory_space<vmem>> -> memref<1600x32xf32, #tpu.memory_space<vmem>>
    tpu.enqueue_dma source(%dma_start3A_356 : memref<1600x32xf32, #tpu.memory_space<vmem>>) target(%dma_start3A_352 : memref<1600x32xf32, #tpu.memory_space<hbm>>) target_semaphore(%arg9 : memref<!tpu.dma_semaphore, #tpu.memory_space<semaphore_mem>>)
    %add3A_357 = arith.constant 24000 : i32
    %add3A_358 = arith.addi %mul3A_2, %add3A_357 : i32
    %multiple_of3A_359 = tpu.assume_multiple %add3A_358, 1600 : i32
    %dma_wait3A_360 = arith.constant 1 : i32
    %dma_wait3A_361 = arith.constant 1 : i32
    %dma_wait3A_362 = arith.constant 0 : i32
    %dma_wait3A_363 = arith.constant 0 : i32
    %dma_wait3A_364 = tpu.memref_slice %arg6[%dma_wait3A_361, %dma_wait3A_362, %dma_wait3A_363] : memref<2x1600x32xf32, #tpu.memory_space<vmem>> -> memref<1x1600x32xf32, #tpu.memory_space<vmem>>
    %dma_wait3A_365 = tpu.memref_squeeze %dma_wait3A_364 : memref<1x1600x32xf32, #tpu.memory_space<vmem>> -> memref<1600x32xf32, #tpu.memory_space<vmem>>
    %dma_wait3A_366 = arith.constant 0 : i32
    %dma_wait3A_367 = arith.constant 0 : i32
    %dma_wait3A_368 = tpu.memref_slice %dma_wait3A_365[%dma_wait3A_366, %dma_wait3A_367] : memref<1600x32xf32, #tpu.memory_space<vmem>> -> memref<400x32xf32, #tpu.memory_space<vmem>>
    %dma_wait3A_369 = arith.constant 0 : i32
    %dma_wait3A_370 = tpu.memref_slice %arg5[%dma_wait3A_360, %dma_wait3A_369] : memref<2x1600xi32, #tpu.memory_space<vmem>> -> memref<1x1600xi32, #tpu.memory_space<vmem>>
    %dma_wait3A_371 = tpu.memref_squeeze %dma_wait3A_370 : memref<1x1600xi32, #tpu.memory_space<vmem>> -> memref<1600xi32, #tpu.memory_space<vmem>>
    %dma_wait3A_372 = arith.constant 0 : i32
    %dma_wait3A_373 = tpu.memref_slice %dma_wait3A_371[%dma_wait3A_372] : memref<1600xi32, #tpu.memory_space<vmem>> -> memref<400xi32, #tpu.memory_space<vmem>>
    %dma_wait3A_374 = arith.constant 0 : i32
    %dma_wait3A_375 = arith.constant 0 : i32
    %dma_wait3A_376 = tpu.memref_slice %arg3[%dma_wait3A_374, %dma_wait3A_375] : memref<1000000x32xf32, #tpu.memory_space<hbm>> -> memref<1000000x32xf32, #tpu.memory_space<hbm>>
    tpu.wait_indirect_dma semaphore(%arg13 : memref<!tpu.dma_semaphore, #tpu.memory_space<semaphore_mem>>) src(%dma_wait3A_376 : memref<1000000x32xf32, #tpu.memory_space<hbm>>) dst(%dma_wait3A_368 : memref<400x32xf32, #tpu.memory_space<vmem>>)
    %add3A_377 = arith.constant 0 : i32
    %add3A_378 = arith.addi %multiple_of3A_359, %add3A_377 : i32
    %dma_start3A_379 = arith.constant 1 : i32
    %dma_start3A_380 = arith.constant 0 : i32
    %dma_start3A_381 = arith.constant 0 : i32
    %dma_start3A_382 = tpu.memref_slice %arg6[%dma_start3A_379, %dma_start3A_380, %dma_start3A_381] : memref<2x1600x32xf32, #tpu.memory_space<vmem>> -> memref<1x1600x32xf32, #tpu.memory_space<vmem>>
    %dma_start3A_383 = tpu.memref_squeeze %dma_start3A_382 : memref<1x1600x32xf32, #tpu.memory_space<vmem>> -> memref<1600x32xf32, #tpu.memory_space<vmem>>
    %dma_start3A_384 = arith.constant 0 : i32
    %dma_start3A_385 = arith.constant 0 : i32
    %dma_start3A_386 = tpu.memref_slice %dma_start3A_383[%dma_start3A_384, %dma_start3A_385] : memref<1600x32xf32, #tpu.memory_space<vmem>> -> memref<400x32xf32, #tpu.memory_space<vmem>>
    %dma_start3A_387 = arith.constant 0 : i32
    %dma_start3A_388 = tpu.memref_slice %arg4[%add3A_378, %dma_start3A_387] : memref<819200x32xf32, #tpu.memory_space<hbm>> -> memref<400x32xf32, #tpu.memory_space<hbm>>
    %dma_start3A_389 = arith.constant 0 : i32
    %dma_start3A_390 = tpu.memref_slice %arg4[%add3A_378, %dma_start3A_389] : memref<819200x32xf32, #tpu.memory_space<hbm>> -> memref<400x32xf32, #tpu.memory_space<hbm>>
    %dma_start3A_391 = arith.constant 0 : i32
    %dma_start3A_392 = arith.constant 0 : i32
    %dma_start3A_393 = tpu.memref_slice %arg6[%dma_start3A_379, %dma_start3A_391, %dma_start3A_392] : memref<2x1600x32xf32, #tpu.memory_space<vmem>> -> memref<1x1600x32xf32, #tpu.memory_space<vmem>>
    %dma_start3A_394 = tpu.memref_squeeze %dma_start3A_393 : memref<1x1600x32xf32, #tpu.memory_space<vmem>> -> memref<1600x32xf32, #tpu.memory_space<vmem>>
    %dma_start3A_395 = arith.constant 0 : i32
    %dma_start3A_396 = arith.constant 0 : i32
    %dma_start3A_397 = tpu.memref_slice %dma_start3A_394[%dma_start3A_395, %dma_start3A_396] : memref<1600x32xf32, #tpu.memory_space<vmem>> -> memref<400x32xf32, #tpu.memory_space<vmem>>
    tpu.enqueue_dma source(%dma_start3A_397 : memref<400x32xf32, #tpu.memory_space<vmem>>) target(%dma_start3A_390 : memref<400x32xf32, #tpu.memory_space<hbm>>) target_semaphore(%arg17 : memref<!tpu.dma_semaphore, #tpu.memory_space<semaphore_mem>>)
    %dma_wait3A_398 = arith.constant 1 : i32
    %dma_wait3A_399 = arith.constant 1 : i32
    %dma_wait3A_400 = arith.constant 0 : i32
    %dma_wait3A_401 = arith.constant 0 : i32
    %dma_wait3A_402 = tpu.memref_slice %arg6[%dma_wait3A_399, %dma_wait3A_400, %dma_wait3A_401] : memref<2x1600x32xf32, #tpu.memory_space<vmem>> -> memref<1x1600x32xf32, #tpu.memory_space<vmem>>
    %dma_wait3A_403 = tpu.memref_squeeze %dma_wait3A_402 : memref<1x1600x32xf32, #tpu.memory_space<vmem>> -> memref<1600x32xf32, #tpu.memory_space<vmem>>
    %dma_wait3A_404 = arith.constant 400 : i32
    %dma_wait3A_405 = arith.constant 0 : i32
    %dma_wait3A_406 = tpu.memref_slice %dma_wait3A_403[%dma_wait3A_404, %dma_wait3A_405] : memref<1600x32xf32, #tpu.memory_space<vmem>> -> memref<400x32xf32, #tpu.memory_space<vmem>>
    %dma_wait3A_407 = arith.constant 0 : i32
    %dma_wait3A_408 = tpu.memref_slice %arg5[%dma_wait3A_398, %dma_wait3A_407] : memref<2x1600xi32, #tpu.memory_space<vmem>> -> memref<1x1600xi32, #tpu.memory_space<vmem>>
    %dma_wait3A_409 = tpu.memref_squeeze %dma_wait3A_408 : memref<1x1600xi32, #tpu.memory_space<vmem>> -> memref<1600xi32, #tpu.memory_space<vmem>>
    %dma_wait3A_410 = arith.constant 400 : i32
    %dma_wait3A_411 = tpu.memref_slice %dma_wait3A_409[%dma_wait3A_410] : memref<1600xi32, #tpu.memory_space<vmem>> -> memref<400xi32, #tpu.memory_space<vmem>>
    %dma_wait3A_412 = arith.constant 0 : i32
    %dma_wait3A_413 = arith.constant 0 : i32
    %dma_wait3A_414 = tpu.memref_slice %arg3[%dma_wait3A_412, %dma_wait3A_413] : memref<1000000x32xf32, #tpu.memory_space<hbm>> -> memref<1000000x32xf32, #tpu.memory_space<hbm>>
    tpu.wait_indirect_dma semaphore(%arg14 : memref<!tpu.dma_semaphore, #tpu.memory_space<semaphore_mem>>) src(%dma_wait3A_414 : memref<1000000x32xf32, #tpu.memory_space<hbm>>) dst(%dma_wait3A_406 : memref<400x32xf32, #tpu.memory_space<vmem>>)
    %add3A_415 = arith.constant 400 : i32
    %add3A_416 = arith.addi %multiple_of3A_359, %add3A_415 : i32
    %dma_start3A_417 = arith.constant 1 : i32
    %dma_start3A_418 = arith.constant 0 : i32
    %dma_start3A_419 = arith.constant 0 : i32
    %dma_start3A_420 = tpu.memref_slice %arg6[%dma_start3A_417, %dma_start3A_418, %dma_start3A_419] : memref<2x1600x32xf32, #tpu.memory_space<vmem>> -> memref<1x1600x32xf32, #tpu.memory_space<vmem>>
    %dma_start3A_421 = tpu.memref_squeeze %dma_start3A_420 : memref<1x1600x32xf32, #tpu.memory_space<vmem>> -> memref<1600x32xf32, #tpu.memory_space<vmem>>
    %dma_start3A_422 = arith.constant 400 : i32
    %dma_start3A_423 = arith.constant 0 : i32
    %dma_start3A_424 = tpu.memref_slice %dma_start3A_421[%dma_start3A_422, %dma_start3A_423] : memref<1600x32xf32, #tpu.memory_space<vmem>> -> memref<400x32xf32, #tpu.memory_space<vmem>>
    %dma_start3A_425 = arith.constant 0 : i32
    %dma_start3A_426 = tpu.memref_slice %arg4[%add3A_416, %dma_start3A_425] : memref<819200x32xf32, #tpu.memory_space<hbm>> -> memref<400x32xf32, #tpu.memory_space<hbm>>
    %dma_start3A_427 = arith.constant 0 : i32
    %dma_start3A_428 = tpu.memref_slice %arg4[%add3A_416, %dma_start3A_427] : memref<819200x32xf32, #tpu.memory_space<hbm>> -> memref<400x32xf32, #tpu.memory_space<hbm>>
    %dma_start3A_429 = arith.constant 0 : i32
    %dma_start3A_430 = arith.constant 0 : i32
    %dma_start3A_431 = tpu.memref_slice %arg6[%dma_start3A_417, %dma_start3A_429, %dma_start3A_430] : memref<2x1600x32xf32, #tpu.memory_space<vmem>> -> memref<1x1600x32xf32, #tpu.memory_space<vmem>>
    %dma_start3A_432 = tpu.memref_squeeze %dma_start3A_431 : memref<1x1600x32xf32, #tpu.memory_space<vmem>> -> memref<1600x32xf32, #tpu.memory_space<vmem>>
    %dma_start3A_433 = arith.constant 400 : i32
    %dma_start3A_434 = arith.constant 0 : i32
    %dma_start3A_435 = tpu.memref_slice %dma_start3A_432[%dma_start3A_433, %dma_start3A_434] : memref<1600x32xf32, #tpu.memory_space<vmem>> -> memref<400x32xf32, #tpu.memory_space<vmem>>
    tpu.enqueue_dma source(%dma_start3A_435 : memref<400x32xf32, #tpu.memory_space<vmem>>) target(%dma_start3A_428 : memref<400x32xf32, #tpu.memory_space<hbm>>) target_semaphore(%arg18 : memref<!tpu.dma_semaphore, #tpu.memory_space<semaphore_mem>>)
    %dma_wait3A_436 = arith.constant 1 : i32
    %dma_wait3A_437 = arith.constant 1 : i32
    %dma_wait3A_438 = arith.constant 0 : i32
    %dma_wait3A_439 = arith.constant 0 : i32
    %dma_wait3A_440 = tpu.memref_slice %arg6[%dma_wait3A_437, %dma_wait3A_438, %dma_wait3A_439] : memref<2x1600x32xf32, #tpu.memory_space<vmem>> -> memref<1x1600x32xf32, #tpu.memory_space<vmem>>
    %dma_wait3A_441 = tpu.memref_squeeze %dma_wait3A_440 : memref<1x1600x32xf32, #tpu.memory_space<vmem>> -> memref<1600x32xf32, #tpu.memory_space<vmem>>
    %dma_wait3A_442 = arith.constant 800 : i32
    %dma_wait3A_443 = arith.constant 0 : i32
    %dma_wait3A_444 = tpu.memref_slice %dma_wait3A_441[%dma_wait3A_442, %dma_wait3A_443] : memref<1600x32xf32, #tpu.memory_space<vmem>> -> memref<400x32xf32, #tpu.memory_space<vmem>>
    %dma_wait3A_445 = arith.constant 0 : i32
    %dma_wait3A_446 = tpu.memref_slice %arg5[%dma_wait3A_436, %dma_wait3A_445] : memref<2x1600xi32, #tpu.memory_space<vmem>> -> memref<1x1600xi32, #tpu.memory_space<vmem>>
    %dma_wait3A_447 = tpu.memref_squeeze %dma_wait3A_446 : memref<1x1600xi32, #tpu.memory_space<vmem>> -> memref<1600xi32, #tpu.memory_space<vmem>>
    %dma_wait3A_448 = arith.constant 800 : i32
    %dma_wait3A_449 = tpu.memref_slice %dma_wait3A_447[%dma_wait3A_448] : memref<1600xi32, #tpu.memory_space<vmem>> -> memref<400xi32, #tpu.memory_space<vmem>>
    %dma_wait3A_450 = arith.constant 0 : i32
    %dma_wait3A_451 = arith.constant 0 : i32
    %dma_wait3A_452 = tpu.memref_slice %arg3[%dma_wait3A_450, %dma_wait3A_451] : memref<1000000x32xf32, #tpu.memory_space<hbm>> -> memref<1000000x32xf32, #tpu.memory_space<hbm>>
    tpu.wait_indirect_dma semaphore(%arg15 : memref<!tpu.dma_semaphore, #tpu.memory_space<semaphore_mem>>) src(%dma_wait3A_452 : memref<1000000x32xf32, #tpu.memory_space<hbm>>) dst(%dma_wait3A_444 : memref<400x32xf32, #tpu.memory_space<vmem>>)
    %add3A_453 = arith.constant 800 : i32
    %add3A_454 = arith.addi %multiple_of3A_359, %add3A_453 : i32
    %dma_start3A_455 = arith.constant 1 : i32
    %dma_start3A_456 = arith.constant 0 : i32
    %dma_start3A_457 = arith.constant 0 : i32
    %dma_start3A_458 = tpu.memref_slice %arg6[%dma_start3A_455, %dma_start3A_456, %dma_start3A_457] : memref<2x1600x32xf32, #tpu.memory_space<vmem>> -> memref<1x1600x32xf32, #tpu.memory_space<vmem>>
    %dma_start3A_459 = tpu.memref_squeeze %dma_start3A_458 : memref<1x1600x32xf32, #tpu.memory_space<vmem>> -> memref<1600x32xf32, #tpu.memory_space<vmem>>
    %dma_start3A_460 = arith.constant 800 : i32
    %dma_start3A_461 = arith.constant 0 : i32
    %dma_start3A_462 = tpu.memref_slice %dma_start3A_459[%dma_start3A_460, %dma_start3A_461] : memref<1600x32xf32, #tpu.memory_space<vmem>> -> memref<400x32xf32, #tpu.memory_space<vmem>>
    %dma_start3A_463 = arith.constant 0 : i32
    %dma_start3A_464 = tpu.memref_slice %arg4[%add3A_454, %dma_start3A_463] : memref<819200x32xf32, #tpu.memory_space<hbm>> -> memref<400x32xf32, #tpu.memory_space<hbm>>
    %dma_start3A_465 = arith.constant 0 : i32
    %dma_start3A_466 = tpu.memref_slice %arg4[%add3A_454, %dma_start3A_465] : memref<819200x32xf32, #tpu.memory_space<hbm>> -> memref<400x32xf32, #tpu.memory_space<hbm>>
    %dma_start3A_467 = arith.constant 0 : i32
    %dma_start3A_468 = arith.constant 0 : i32
    %dma_start3A_469 = tpu.memref_slice %arg6[%dma_start3A_455, %dma_start3A_467, %dma_start3A_468] : memref<2x1600x32xf32, #tpu.memory_space<vmem>> -> memref<1x1600x32xf32, #tpu.memory_space<vmem>>
    %dma_start3A_470 = tpu.memref_squeeze %dma_start3A_469 : memref<1x1600x32xf32, #tpu.memory_space<vmem>> -> memref<1600x32xf32, #tpu.memory_space<vmem>>
    %dma_start3A_471 = arith.constant 800 : i32
    %dma_start3A_472 = arith.constant 0 : i32
    %dma_start3A_473 = tpu.memref_slice %dma_start3A_470[%dma_start3A_471, %dma_start3A_472] : memref<1600x32xf32, #tpu.memory_space<vmem>> -> memref<400x32xf32, #tpu.memory_space<vmem>>
    tpu.enqueue_dma source(%dma_start3A_473 : memref<400x32xf32, #tpu.memory_space<vmem>>) target(%dma_start3A_466 : memref<400x32xf32, #tpu.memory_space<hbm>>) target_semaphore(%arg19 : memref<!tpu.dma_semaphore, #tpu.memory_space<semaphore_mem>>)
    %dma_wait3A_474 = arith.constant 1 : i32
    %dma_wait3A_475 = arith.constant 1 : i32
    %dma_wait3A_476 = arith.constant 0 : i32
    %dma_wait3A_477 = arith.constant 0 : i32
    %dma_wait3A_478 = tpu.memref_slice %arg6[%dma_wait3A_475, %dma_wait3A_476, %dma_wait3A_477] : memref<2x1600x32xf32, #tpu.memory_space<vmem>> -> memref<1x1600x32xf32, #tpu.memory_space<vmem>>
    %dma_wait3A_479 = tpu.memref_squeeze %dma_wait3A_478 : memref<1x1600x32xf32, #tpu.memory_space<vmem>> -> memref<1600x32xf32, #tpu.memory_space<vmem>>
    %dma_wait3A_480 = arith.constant 1200 : i32
    %dma_wait3A_481 = arith.constant 0 : i32
    %dma_wait3A_482 = tpu.memref_slice %dma_wait3A_479[%dma_wait3A_480, %dma_wait3A_481] : memref<1600x32xf32, #tpu.memory_space<vmem>> -> memref<400x32xf32, #tpu.memory_space<vmem>>
    %dma_wait3A_483 = arith.constant 0 : i32
    %dma_wait3A_484 = tpu.memref_slice %arg5[%dma_wait3A_474, %dma_wait3A_483] : memref<2x1600xi32, #tpu.memory_space<vmem>> -> memref<1x1600xi32, #tpu.memory_space<vmem>>
    %dma_wait3A_485 = tpu.memref_squeeze %dma_wait3A_484 : memref<1x1600xi32, #tpu.memory_space<vmem>> -> memref<1600xi32, #tpu.memory_space<vmem>>
    %dma_wait3A_486 = arith.constant 1200 : i32
    %dma_wait3A_487 = tpu.memref_slice %dma_wait3A_485[%dma_wait3A_486] : memref<1600xi32, #tpu.memory_space<vmem>> -> memref<400xi32, #tpu.memory_space<vmem>>
    %dma_wait3A_488 = arith.constant 0 : i32
    %dma_wait3A_489 = arith.constant 0 : i32
    %dma_wait3A_490 = tpu.memref_slice %arg3[%dma_wait3A_488, %dma_wait3A_489] : memref<1000000x32xf32, #tpu.memory_space<hbm>> -> memref<1000000x32xf32, #tpu.memory_space<hbm>>
    tpu.wait_indirect_dma semaphore(%arg16 : memref<!tpu.dma_semaphore, #tpu.memory_space<semaphore_mem>>) src(%dma_wait3A_490 : memref<1000000x32xf32, #tpu.memory_space<hbm>>) dst(%dma_wait3A_482 : memref<400x32xf32, #tpu.memory_space<vmem>>)
    %add3A_491 = arith.constant 1200 : i32
    %add3A_492 = arith.addi %multiple_of3A_359, %add3A_491 : i32
    %dma_start3A_493 = arith.constant 1 : i32
    %dma_start3A_494 = arith.constant 0 : i32
    %dma_start3A_495 = arith.constant 0 : i32
    %dma_start3A_496 = tpu.memref_slice %arg6[%dma_start3A_493, %dma_start3A_494, %dma_start3A_495] : memref<2x1600x32xf32, #tpu.memory_space<vmem>> -> memref<1x1600x32xf32, #tpu.memory_space<vmem>>
    %dma_start3A_497 = tpu.memref_squeeze %dma_start3A_496 : memref<1x1600x32xf32, #tpu.memory_space<vmem>> -> memref<1600x32xf32, #tpu.memory_space<vmem>>
    %dma_start3A_498 = arith.constant 1200 : i32
    %dma_start3A_499 = arith.constant 0 : i32
    %dma_start3A_500 = tpu.memref_slice %dma_start3A_497[%dma_start3A_498, %dma_start3A_499] : memref<1600x32xf32, #tpu.memory_space<vmem>> -> memref<400x32xf32, #tpu.memory_space<vmem>>
    %dma_start3A_501 = arith.constant 0 : i32
    %dma_start3A_502 = tpu.memref_slice %arg4[%add3A_492, %dma_start3A_501] : memref<819200x32xf32, #tpu.memory_space<hbm>> -> memref<400x32xf32, #tpu.memory_space<hbm>>
    %dma_start3A_503 = arith.constant 0 : i32
    %dma_start3A_504 = tpu.memref_slice %arg4[%add3A_492, %dma_start3A_503] : memref<819200x32xf32, #tpu.memory_space<hbm>> -> memref<400x32xf32, #tpu.memory_space<hbm>>
    %dma_start3A_505 = arith.constant 0 : i32
    %dma_start3A_506 = arith.constant 0 : i32
    %dma_start3A_507 = tpu.memref_slice %arg6[%dma_start3A_493, %dma_start3A_505, %dma_start3A_506] : memref<2x1600x32xf32, #tpu.memory_space<vmem>> -> memref<1x1600x32xf32, #tpu.memory_space<vmem>>
    %dma_start3A_508 = tpu.memref_squeeze %dma_start3A_507 : memref<1x1600x32xf32, #tpu.memory_space<vmem>> -> memref<1600x32xf32, #tpu.memory_space<vmem>>
    %dma_start3A_509 = arith.constant 1200 : i32
    %dma_start3A_510 = arith.constant 0 : i32
    %dma_start3A_511 = tpu.memref_slice %dma_start3A_508[%dma_start3A_509, %dma_start3A_510] : memref<1600x32xf32, #tpu.memory_space<vmem>> -> memref<400x32xf32, #tpu.memory_space<vmem>>
    tpu.enqueue_dma source(%dma_start3A_511 : memref<400x32xf32, #tpu.memory_space<vmem>>) target(%dma_start3A_504 : memref<400x32xf32, #tpu.memory_space<hbm>>) target_semaphore(%arg20 : memref<!tpu.dma_semaphore, #tpu.memory_space<semaphore_mem>>)
    %add3A_512 = arith.constant 22400 : i32
    %add3A_513 = arith.addi %mul3A_2, %add3A_512 : i32
    %multiple_of3A_514 = tpu.assume_multiple %add3A_513, 1600 : i32
    %dma_wait3A_515 = arith.constant 0 : i32
    %dma_wait3A_516 = arith.constant 0 : i32
    %dma_wait3A_517 = arith.constant 0 : i32
    %dma_wait3A_518 = tpu.memref_slice %arg6[%dma_wait3A_515, %dma_wait3A_516, %dma_wait3A_517] : memref<2x1600x32xf32, #tpu.memory_space<vmem>> -> memref<1x1600x32xf32, #tpu.memory_space<vmem>>
    %dma_wait3A_519 = tpu.memref_squeeze %dma_wait3A_518 : memref<1x1600x32xf32, #tpu.memory_space<vmem>> -> memref<1600x32xf32, #tpu.memory_space<vmem>>
    %dma_wait3A_520 = arith.constant 0 : i32
    %dma_wait3A_521 = tpu.memref_slice %arg4[%multiple_of3A_514, %dma_wait3A_520] : memref<819200x32xf32, #tpu.memory_space<hbm>> -> memref<1600x32xf32, #tpu.memory_space<hbm>>
    %dma_wait3A_522 = arith.constant 0 : i32
    %dma_wait3A_523 = tpu.memref_slice %arg4[%multiple_of3A_514, %dma_wait3A_522] : memref<819200x32xf32, #tpu.memory_space<hbm>> -> memref<1600x32xf32, #tpu.memory_space<hbm>>
    %dma_wait3A_524 = arith.constant 0 : i32
    %dma_wait3A_525 = arith.constant 0 : i32
    %dma_wait3A_526 = tpu.memref_slice %arg6[%dma_wait3A_515, %dma_wait3A_524, %dma_wait3A_525] : memref<2x1600x32xf32, #tpu.memory_space<vmem>> -> memref<1x1600x32xf32, #tpu.memory_space<vmem>>
    %dma_wait3A_527 = tpu.memref_squeeze %dma_wait3A_526 : memref<1x1600x32xf32, #tpu.memory_space<vmem>> -> memref<1600x32xf32, #tpu.memory_space<vmem>>
    tpu.wait_dma2 semaphore(%arg9 : memref<!tpu.dma_semaphore, #tpu.memory_space<semaphore_mem>>) src(%dma_wait3A_527 : memref<1600x32xf32, #tpu.memory_space<vmem>>) dst(%dma_wait3A_523 : memref<1600x32xf32, #tpu.memory_space<hbm>>)
    %add3A_528 = arith.constant 0 : i32
    %add3A_529 = arith.addi %multiple_of3A_359, %add3A_528 : i32
    %dma_wait3A_530 = arith.constant 1 : i32
    %dma_wait3A_531 = arith.constant 0 : i32
    %dma_wait3A_532 = arith.constant 0 : i32
    %dma_wait3A_533 = tpu.memref_slice %arg6[%dma_wait3A_530, %dma_wait3A_531, %dma_wait3A_532] : memref<2x1600x32xf32, #tpu.memory_space<vmem>> -> memref<1x1600x32xf32, #tpu.memory_space<vmem>>
    %dma_wait3A_534 = tpu.memref_squeeze %dma_wait3A_533 : memref<1x1600x32xf32, #tpu.memory_space<vmem>> -> memref<1600x32xf32, #tpu.memory_space<vmem>>
    %dma_wait3A_535 = arith.constant 0 : i32
    %dma_wait3A_536 = arith.constant 0 : i32
    %dma_wait3A_537 = tpu.memref_slice %dma_wait3A_534[%dma_wait3A_535, %dma_wait3A_536] : memref<1600x32xf32, #tpu.memory_space<vmem>> -> memref<400x32xf32, #tpu.memory_space<vmem>>
    %dma_wait3A_538 = arith.constant 0 : i32
    %dma_wait3A_539 = tpu.memref_slice %arg4[%add3A_529, %dma_wait3A_538] : memref<819200x32xf32, #tpu.memory_space<hbm>> -> memref<400x32xf32, #tpu.memory_space<hbm>>
    %dma_wait3A_540 = arith.constant 0 : i32
    %dma_wait3A_541 = tpu.memref_slice %arg4[%add3A_529, %dma_wait3A_540] : memref<819200x32xf32, #tpu.memory_space<hbm>> -> memref<400x32xf32, #tpu.memory_space<hbm>>
    %dma_wait3A_542 = arith.constant 0 : i32
    %dma_wait3A_543 = arith.constant 0 : i32
    %dma_wait3A_544 = tpu.memref_slice %arg6[%dma_wait3A_530, %dma_wait3A_542, %dma_wait3A_543] : memref<2x1600x32xf32, #tpu.memory_space<vmem>> -> memref<1x1600x32xf32, #tpu.memory_space<vmem>>
    %dma_wait3A_545 = tpu.memref_squeeze %dma_wait3A_544 : memref<1x1600x32xf32, #tpu.memory_space<vmem>> -> memref<1600x32xf32, #tpu.memory_space<vmem>>
    %dma_wait3A_546 = arith.constant 0 : i32
    %dma_wait3A_547 = arith.constant 0 : i32
    %dma_wait3A_548 = tpu.memref_slice %dma_wait3A_545[%dma_wait3A_546, %dma_wait3A_547] : memref<1600x32xf32, #tpu.memory_space<vmem>> -> memref<400x32xf32, #tpu.memory_space<vmem>>
    tpu.wait_dma2 semaphore(%arg17 : memref<!tpu.dma_semaphore, #tpu.memory_space<semaphore_mem>>) src(%dma_wait3A_548 : memref<400x32xf32, #tpu.memory_space<vmem>>) dst(%dma_wait3A_541 : memref<400x32xf32, #tpu.memory_space<hbm>>)
    %add3A_549 = arith.constant 400 : i32
    %add3A_550 = arith.addi %multiple_of3A_359, %add3A_549 : i32
    %dma_wait3A_551 = arith.constant 1 : i32
    %dma_wait3A_552 = arith.constant 0 : i32
    %dma_wait3A_553 = arith.constant 0 : i32
    %dma_wait3A_554 = tpu.memref_slice %arg6[%dma_wait3A_551, %dma_wait3A_552, %dma_wait3A_553] : memref<2x1600x32xf32, #tpu.memory_space<vmem>> -> memref<1x1600x32xf32, #tpu.memory_space<vmem>>
    %dma_wait3A_555 = tpu.memref_squeeze %dma_wait3A_554 : memref<1x1600x32xf32, #tpu.memory_space<vmem>> -> memref<1600x32xf32, #tpu.memory_space<vmem>>
    %dma_wait3A_556 = arith.constant 400 : i32
    %dma_wait3A_557 = arith.constant 0 : i32
    %dma_wait3A_558 = tpu.memref_slice %dma_wait3A_555[%dma_wait3A_556, %dma_wait3A_557] : memref<1600x32xf32, #tpu.memory_space<vmem>> -> memref<400x32xf32, #tpu.memory_space<vmem>>
    %dma_wait3A_559 = arith.constant 0 : i32
    %dma_wait3A_560 = tpu.memref_slice %arg4[%add3A_550, %dma_wait3A_559] : memref<819200x32xf32, #tpu.memory_space<hbm>> -> memref<400x32xf32, #tpu.memory_space<hbm>>
    %dma_wait3A_561 = arith.constant 0 : i32
    %dma_wait3A_562 = tpu.memref_slice %arg4[%add3A_550, %dma_wait3A_561] : memref<819200x32xf32, #tpu.memory_space<hbm>> -> memref<400x32xf32, #tpu.memory_space<hbm>>
    %dma_wait3A_563 = arith.constant 0 : i32
    %dma_wait3A_564 = arith.constant 0 : i32
    %dma_wait3A_565 = tpu.memref_slice %arg6[%dma_wait3A_551, %dma_wait3A_563, %dma_wait3A_564] : memref<2x1600x32xf32, #tpu.memory_space<vmem>> -> memref<1x1600x32xf32, #tpu.memory_space<vmem>>
    %dma_wait3A_566 = tpu.memref_squeeze %dma_wait3A_565 : memref<1x1600x32xf32, #tpu.memory_space<vmem>> -> memref<1600x32xf32, #tpu.memory_space<vmem>>
    %dma_wait3A_567 = arith.constant 400 : i32
    %dma_wait3A_568 = arith.constant 0 : i32
    %dma_wait3A_569 = tpu.memref_slice %dma_wait3A_566[%dma_wait3A_567, %dma_wait3A_568] : memref<1600x32xf32, #tpu.memory_space<vmem>> -> memref<400x32xf32, #tpu.memory_space<vmem>>
    tpu.wait_dma2 semaphore(%arg18 : memref<!tpu.dma_semaphore, #tpu.memory_space<semaphore_mem>>) src(%dma_wait3A_569 : memref<400x32xf32, #tpu.memory_space<vmem>>) dst(%dma_wait3A_562 : memref<400x32xf32, #tpu.memory_space<hbm>>)
    %add3A_570 = arith.constant 800 : i32
    %add3A_571 = arith.addi %multiple_of3A_359, %add3A_570 : i32
    %dma_wait3A_572 = arith.constant 1 : i32
    %dma_wait3A_573 = arith.constant 0 : i32
    %dma_wait3A_574 = arith.constant 0 : i32
    %dma_wait3A_575 = tpu.memref_slice %arg6[%dma_wait3A_572, %dma_wait3A_573, %dma_wait3A_574] : memref<2x1600x32xf32, #tpu.memory_space<vmem>> -> memref<1x1600x32xf32, #tpu.memory_space<vmem>>
    %dma_wait3A_576 = tpu.memref_squeeze %dma_wait3A_575 : memref<1x1600x32xf32, #tpu.memory_space<vmem>> -> memref<1600x32xf32, #tpu.memory_space<vmem>>
    %dma_wait3A_577 = arith.constant 800 : i32
    %dma_wait3A_578 = arith.constant 0 : i32
    %dma_wait3A_579 = tpu.memref_slice %dma_wait3A_576[%dma_wait3A_577, %dma_wait3A_578] : memref<1600x32xf32, #tpu.memory_space<vmem>> -> memref<400x32xf32, #tpu.memory_space<vmem>>
    %dma_wait3A_580 = arith.constant 0 : i32
    %dma_wait3A_581 = tpu.memref_slice %arg4[%add3A_571, %dma_wait3A_580] : memref<819200x32xf32, #tpu.memory_space<hbm>> -> memref<400x32xf32, #tpu.memory_space<hbm>>
    %dma_wait3A_582 = arith.constant 0 : i32
    %dma_wait3A_583 = tpu.memref_slice %arg4[%add3A_571, %dma_wait3A_582] : memref<819200x32xf32, #tpu.memory_space<hbm>> -> memref<400x32xf32, #tpu.memory_space<hbm>>
    %dma_wait3A_584 = arith.constant 0 : i32
    %dma_wait3A_585 = arith.constant 0 : i32
    %dma_wait3A_586 = tpu.memref_slice %arg6[%dma_wait3A_572, %dma_wait3A_584, %dma_wait3A_585] : memref<2x1600x32xf32, #tpu.memory_space<vmem>> -> memref<1x1600x32xf32, #tpu.memory_space<vmem>>
    %dma_wait3A_587 = tpu.memref_squeeze %dma_wait3A_586 : memref<1x1600x32xf32, #tpu.memory_space<vmem>> -> memref<1600x32xf32, #tpu.memory_space<vmem>>
    %dma_wait3A_588 = arith.constant 800 : i32
    %dma_wait3A_589 = arith.constant 0 : i32
    %dma_wait3A_590 = tpu.memref_slice %dma_wait3A_587[%dma_wait3A_588, %dma_wait3A_589] : memref<1600x32xf32, #tpu.memory_space<vmem>> -> memref<400x32xf32, #tpu.memory_space<vmem>>
    tpu.wait_dma2 semaphore(%arg19 : memref<!tpu.dma_semaphore, #tpu.memory_space<semaphore_mem>>) src(%dma_wait3A_590 : memref<400x32xf32, #tpu.memory_space<vmem>>) dst(%dma_wait3A_583 : memref<400x32xf32, #tpu.memory_space<hbm>>)
    %add3A_591 = arith.constant 1200 : i32
    %add3A_592 = arith.addi %multiple_of3A_359, %add3A_591 : i32
    %dma_wait3A_593 = arith.constant 1 : i32
    %dma_wait3A_594 = arith.constant 0 : i32
    %dma_wait3A_595 = arith.constant 0 : i32
    %dma_wait3A_596 = tpu.memref_slice %arg6[%dma_wait3A_593, %dma_wait3A_594, %dma_wait3A_595] : memref<2x1600x32xf32, #tpu.memory_space<vmem>> -> memref<1x1600x32xf32, #tpu.memory_space<vmem>>
    %dma_wait3A_597 = tpu.memref_squeeze %dma_wait3A_596 : memref<1x1600x32xf32, #tpu.memory_space<vmem>> -> memref<1600x32xf32, #tpu.memory_space<vmem>>
    %dma_wait3A_598 = arith.constant 1200 : i32
    %dma_wait3A_599 = arith.constant 0 : i32
    %dma_wait3A_600 = tpu.memref_slice %dma_wait3A_597[%dma_wait3A_598, %dma_wait3A_599] : memref<1600x32xf32, #tpu.memory_space<vmem>> -> memref<400x32xf32, #tpu.memory_space<vmem>>
    %dma_wait3A_601 = arith.constant 0 : i32
    %dma_wait3A_602 = tpu.memref_slice %arg4[%add3A_592, %dma_wait3A_601] : memref<819200x32xf32, #tpu.memory_space<hbm>> -> memref<400x32xf32, #tpu.memory_space<hbm>>
    %dma_wait3A_603 = arith.constant 0 : i32
    %dma_wait3A_604 = tpu.memref_slice %arg4[%add3A_592, %dma_wait3A_603] : memref<819200x32xf32, #tpu.memory_space<hbm>> -> memref<400x32xf32, #tpu.memory_space<hbm>>
    %dma_wait3A_605 = arith.constant 0 : i32
    %dma_wait3A_606 = arith.constant 0 : i32
    %dma_wait3A_607 = tpu.memref_slice %arg6[%dma_wait3A_593, %dma_wait3A_605, %dma_wait3A_606] : memref<2x1600x32xf32, #tpu.memory_space<vmem>> -> memref<1x1600x32xf32, #tpu.memory_space<vmem>>
    %dma_wait3A_608 = tpu.memref_squeeze %dma_wait3A_607 : memref<1x1600x32xf32, #tpu.memory_space<vmem>> -> memref<1600x32xf32, #tpu.memory_space<vmem>>
    %dma_wait3A_609 = arith.constant 1200 : i32
    %dma_wait3A_610 = arith.constant 0 : i32
    %dma_wait3A_611 = tpu.memref_slice %dma_wait3A_608[%dma_wait3A_609, %dma_wait3A_610] : memref<1600x32xf32, #tpu.memory_space<vmem>> -> memref<400x32xf32, #tpu.memory_space<vmem>>
    tpu.wait_dma2 semaphore(%arg20 : memref<!tpu.dma_semaphore, #tpu.memory_space<semaphore_mem>>) src(%dma_wait3A_611 : memref<400x32xf32, #tpu.memory_space<vmem>>) dst(%dma_wait3A_604 : memref<400x32xf32, #tpu.memory_space<hbm>>)
    return
  }
}

</mosaic_0001>

<sc_bundles>
// kernel: _embed.3.cloned.1.call-start
scs
__scs_entry_jumppad:
0x0: {  	(pc) =	sbr.rel $0x88, $3  }
0x1: {  	(tag) =	ssettag $0x0;
	lr =	simm.s32 $0x1  }
0x2: {  	[smem:$0x3F9F] =	sst lr;
	_ =	strace $0xD0000000  }
0x3: {  	_ = 	snop  }
0x4: {  	_ = 	snop  }
0x5: {  	_ = 	snop  }
0x6: {  	_ = 	snop  }
0x7: {  	_ = 	snop  }
__scs_overlays_trampoline_lowered:
0x8: {  	[smem:$0x3FAE] =	sst s0  }
0x9: {  	[smem:$0x3FAF] =	sst s1  }
0xa: {  	[smem:$0x3FB0] =	sst s2  }
0xb: {  	[smem:$0x3FB1] =	sst s3  }
0xc: {  	[smem:$0x3FB2] =	sst s4  }
0xd: {  	[smem:$0x3FB3] =	sst s5  }
0xe: {  	[smem:$0x3FB4] =	sst s6  }
0xf: {  	[smem:$0x3FB5] =	sst s7  }
0x10: {  	[smem:$0x3FB6] =	sst s8  }
0x11: {  	[smem:$0x3FB7] =	sst s9;
	s0 =	simm.s32 @!p0 $0x0  }
0x12: {  	s1 =	sld [smem:$0x3F9D];
	s0 =	simm.s32 @p0 $0x1  }
0x13: {  	[smem:$0x3FB8] =	sst s0;
	s0 =	simm.s32 @!p1 $0x0  }
0x14: {  	s2 =	sld [smem:$0x3F9C];
	s0 =	simm.s32 @p1 $0x1  }
0x15: {  	[smem:$0x3FB9] =	sst s0;
	s0 =	simm.s32 @!p2 $0x0  }
0x16: {  	s3 =	sld [smem:$0x3FDB];
	s0 =	simm.s32 @p2 $0x1  }
0x17: {  	s4 =	simm.s32 $0x1BF5;
	[smem:$0x3FBB] =	sst s0  }
0x18: {  	s0 =	sld [smem:$0x3F9E];
	_ =	swait.ge [sflag:s4], $0x0  }
0x19: {  	s7 =	sld [smem:$0x3F9F]  }
0x1a: {  	s8 =	sadd.s32 $0xFFFFE003, lr  }
0x1b: {  	s9 =	sadd.s32 $0xFFFFFEF7, lr;
	s5 =	simm.s32 $0xFFFFFFFF;
	p2 =	slt.u32 s8, $0xFFFFF086  }
0x1c: {  	p1 =	slt.u32 s9, $0xF7A;
	s5 =	simm.s32 @!p2 $0x0  }
0x1d: {  	s5 =	simm.s32 @p1 $0x1;
	p0 =	seq.s32 s7, s2  }
0x1e: {  	s7 =	smul.u32 @!p0 $0xF7A, s2;
	p2 =	seq.s32 @!p0 s5, $0x0  }
0x1f: {  	s9 =	smul.u32 $0xF7A, s1;
	s8 =	simm.s32 @!p0 $0x1BF5;
	p2 =	por !p2, p0  }
0x20: {  	[sflag:s8] =	ssyncset.s32 @!p0 $0xFFFFF086;
	s6 =	sadd.s32 @!p0 s3, s7;
	s7 =	simm.s32 @!p0 $0x108  }
0x21: {  	s3 =	sadd.s32 s3, s9;
	s6 =	sadd.s32 @!p0 $0x88, s6;
	s7 =	simm.s32 @p2 $0x1082  }
0x22: {  	[simem:s7], [sflag:s8] =	dma.local @!p0 [hbm:s6], $0xF7A  }
0x23: {  	s9 =	sor.u32 $0xD0000000, s2;
	s6 =	simm.s32 $0x108;
	_ =	swait.ge @!p0 [sflag:s8], $0x0  }
0x24: {  	s3 =	sadd.s32 $0x88, s3;
	s6 =	simm.s32 @!p1 $0x1082;
	[sflag:s4] =	ssyncset.s32 $0xFFFFF086  }
0x25: {  	[simem:s6], [sflag:s4] =	dma.local [hbm:s3], $0xF7A  }
0x26: {  	[smem:$0x3F9F] =	sst s1;
	(tag) =	ssettag s2;
	_ =	strace s9  }
0x27: {  	s1 =	sld [smem:$0x3FAF]  }
0x28: {  	s2 =	sld [smem:$0x3FB0]  }
0x29: {  	s4 =	sld [smem:$0x3FB2]  }
0x2a: {  	p0 =	seq.s32 s5, $0x0;
	s5 =	sld [smem:$0x3FB3]  }
0x2b: {  	s6 =	sld [smem:$0x3FB4]  }
0x2c: {  	s7 =	sld [smem:$0x3FB5]  }
0x2d: {  	s3 =	simm.s32 $0x108;
	s8 =	sld [smem:$0x3FB6]  }
0x2e: {  	s3 =	simm.s32 @!p0 $0x1082;
	s9 =	sld [smem:$0x3FB7]  }
0x2f: {  	lr =	sadd.s32 s0, s3;
	s0 =	sld [smem:$0x3FAE]  }
0x30: {  	s3 =	sld [smem:$0x3FB1]  }
0x31: {  	[smem:$0x3FBA] =	sst s10  }
0x32: {  	s10 =	sld [smem:$0x3FB8];
	_ =	sdelay $0x3  }
0x33: {  	p0 =	seq.s32 s10, $0x1;
	s10 =	sld [smem:$0x3FBA];
	_ =	sdelay $0x3  }
0x34: {  	[smem:$0x3FBA] =	sst s10  }
0x35: {  	s10 =	sld [smem:$0x3FB9];
	_ =	sdelay $0x3  }
0x36: {  	p1 =	seq.s32 s10, $0x1;
	s10 =	sld [smem:$0x3FBA];
	_ =	sdelay $0x3  }
0x37: {  	[smem:$0x3FBA] =	sst s10  }
0x38: {  	s10 =	sld [smem:$0x3FBB]  }
0x39: {  	_ = 	snop;
	(pc) =	sbr.ind lr, $3  }
0x3a: {  	_ = 	snop  }
0x3b: {  	_ = 	snop  }
0x3c: {  	p2 =	seq.s32 s10, $0x1;
	s10 =	sld [smem:$0x3FBA]  }
0x3d: {  	_ =	shalt  }
0x3e: {  	_ =	shalt  }
0x3f: {  	_ =	shalt  }
0x40: {  	_ =	shalt  }
0x41: {  	_ =	shalt  }
0x42: {  	_ =	shalt  }
0x43: {  	_ =	shalt  }
0x44: {  	_ =	shalt  }
0x45: {  	_ =	shalt  }
0x46: {  	_ =	shalt  }
0x47: {  	_ =	shalt  }
0x48: {  	_ =	shalt  }
0x49: {  	_ =	shalt  }
0x4a: {  	_ =	shalt  }
0x4b: {  	_ =	shalt  }
0x4c: {  	_ =	shalt  }
0x4d: {  	_ =	shalt  }
0x4e: {  	_ =	shalt  }
0x4f: {  	_ =	shalt  }
0x50: {  	_ =	shalt  }
0x51: {  	_ =	shalt  }
0x52: {  	_ =	shalt  }
0x53: {  	_ =	shalt  }
0x54: {  	_ =	shalt  }
0x55: {  	_ =	shalt  }
0x56: {  	_ =	shalt  }
0x57: {  	_ =	shalt  }
0x58: {  	_ =	shalt  }
0x59: {  	_ =	shalt  }
0x5a: {  	_ =	shalt  }
0x5b: {  	_ =	shalt  }
0x5c: {  	_ =	shalt  }
0x5d: {  	_ =	shalt  }
0x5e: {  	_ =	shalt  }
0x5f: {  	_ =	shalt  }
0x60: {  	_ =	shalt  }
0x61: {  	_ =	shalt  }
0x62: {  	_ =	shalt  }
0x63: {  	_ =	shalt  }
0x64: {  	_ =	shalt  }
0x65: {  	_ =	shalt  }
0x66: {  	_ =	shalt  }
0x67: {  	_ =	shalt  }
0x68: {  	_ =	shalt  }
0x69: {  	_ =	shalt  }
0x6a: {  	_ =	shalt  }
0x6b: {  	_ =	shalt  }
0x6c: {  	_ =	shalt  }
0x6d: {  	_ =	shalt  }
0x6e: {  	_ =	shalt  }
0x6f: {  	_ =	shalt  }
0x70: {  	_ =	shalt  }
0x71: {  	_ =	shalt  }
0x72: {  	_ =	shalt  }
0x73: {  	_ =	shalt  }
0x74: {  	_ =	shalt  }
0x75: {  	_ =	shalt  }
0x76: {  	_ =	shalt  }
0x77: {  	_ =	shalt  }
0x78: {  	_ =	shalt  }
0x79: {  	_ =	shalt  }
0x7a: {  	_ =	shalt  }
0x7b: {  	_ =	shalt  }
0x7c: {  	_ =	shalt  }
0x7d: {  	_ =	shalt  }
0x7e: {  	_ =	shalt  }
0x7f: {  	_ =	shalt  }
0x80: {  	_ =	shalt  }
0x81: {  	_ =	shalt  }
0x82: {  	_ =	shalt  }
0x83: {  	_ =	shalt  }
0x84: {  	_ =	shalt  }
0x85: {  	_ =	shalt  }
0x86: {  	_ =	shalt  }
0x87: {  	_ =	shalt  }
.Lfunc_end0:
.L_simem_size_0:
called_computation.1_lowered:
.L_overlay_start_0:
0x88: {  	s2 =	sld [smem:$0x3FD9]  }
0x89: {  	s3 =	sld [smem:$0x3FFE];
	_ =	sdelay $0x1  }
0x8a: {  	s1 =	srdreg.scid  }
0x8b: {  	s0 =	sand.u32 $0x1, s1  }
0x8c: {  	s17 =	sshll.u32 s0, $0xA;
	s2 =	sadd.s32 s3, s2  }
0x8d: {  	s2 =	sadd.s32 s2, s17  }
0x8e: {  	[smem:$0x3FC6] =	sst s2  }
0x8f: {  	_ = 	snop  }
0x90: {  	s2 =	sld [smem:$0x3FD0];
	(tm) =	ssettm $0x1  }
0x91: {  	s18 =	sld [smem:$0x3FFB];
	_ =	sdelay $0x3  }
0x92: {  	_ =	strace s18  }
0x93: {  	s3 =	sld [smem:$0x3FFC];
	_ =	sdelay $0x3  }
0x94: {  	_ =	strace s3  }
0x95: {  	s3 =	sld [smem:$0x3FFD];
	_ =	sdelay $0x3  }
0x96: {  	_ =	strace s3  }
0x97: {  	_ =	strace $0x8FFFFFFF  }
0x98: {  	s19 =	sld [smem:$0x3FDB];
	_ =	sdelay $0x1  }
0x99: {  	s4 =	simm.s32 $_scs_section_size  }
0x9a: {  	s5 =	simm.s32 $_size__tile_overlayer_lowered;
	s6 =	simm.s32 $_tile_overlayer_lowered  }
0x9b: {  	s22 =	simm.s32 $0x1BFF;
	s21 =	sshll.u32 s6, $0x1;
	s3 =	sadd.s32 s4, s19  }
0x9c: {  	s7 =	simm.s32 $0x0;
	s20 =	sshll.u32 s5, $0x1;
	s5 =	sadd.s32 s21, s3  }
0x9d: {  	[timem:s7], [sflag:s22] =	dma.local [hbm:s5], s20  }
0x9e: {  	_ =	swait.ge [sflag:s22], s20  }
0x9f: {  	s4 =	ssub.s32 $0x0, s20;
	[sflag:s22] =	ssyncset.done $0x0  }
0xa0: {  	[sflag:s22] =	ssyncadd.s32 s4;
	_ =	sdelay $0x1  }
0xa1: {  	s23 =	simm.s32 $0x1B8B  }
0xa2: {  	_ =	swait.ge [sflag:s23], $0x1  }
0xa3: {  	[sflag:s23] =	ssyncset.done $0x0  }
0xa4: {  	s25 =	simm.s32 $0x1B8E;
	s24 =	sld [smem:$0x3FFE];
	[sflag:s23] =	ssyncadd.s32 $0xFFFFFFFF  }
0xa5: {  	s26 =	simm.s32 $execute0_lowered;
	[smem:$0x3FD2] =	sst s25  }
0xa6: {  	s5 =	sshll.u32 s26, $0x1;
	_ =	strace $0x80000046;
	[dreg:$0x1] =	wrdreg $0xFFFFFFFF  }
0xa7: {  	s28 =	simm.s32 $_size_execute0_lowered;
	s3 =	sadd.s32 s3, s5;
	[dreg:$0x0] =	wrdreg $0x0  }
0xa8: {  	s5 =	sshll.u32 s28, $0x1;
	[dreg:$0x2] =	wrdreg s3  }
0xa9: {  	[dreg:$0x3] =	wrdreg s5  }
0xaa: {  	[dreg:$0x4] =	wrdreg $0xC0  }
0xab: {  	_ =	task [dreg:s7], $0x5FFFF  }
0xac: {  	[dreg:$0x1] =	wrdreg $0xFFFFFFFF  }
0xad: {  	[dreg:$0x0] =	wrdreg $0x60  }
0xae: {  	[dreg:$0x2] =	wrdreg s24  }
0xaf: {  	[dreg:$0x3] =	wrdreg s2  }
0xb0: {  	[dreg:$0x4] =	wrdreg $0x9  }
0xb1: {  	_ =	task.clear_ibuf [dreg:s7], $0x5FFFF;
	_ =	strace $0x90000046  }
0xb2: {  	s29 =	simm.s32 $0x9;
	_ =	strace $0x80000048  }
0xb3: {  	_ =	swait.ge [sflag:s29], $0x1  }
0xb4: {  	[sflag:s29] =	ssyncadd.s32 $0xFFFFFFFF  }
0xb5: {  	_ =	strace $0x90000048  }
0xb6: {  	_ =	sfence  }
0xb7: {  	s30 =	sld [smem:$0x0];
	_ =	sdelay $0x2  }
0xb8: {  	s31 =	sshll.u32 s1, $0xD;
	s1 =	sshrl.u32 s1, $0x2  }
0xb9: {  	s3 =	sand.u32 $0x4000, s31;
	s1 =	sadd.s32 s1, s30  }
0xba: {  	s0 =	sor.u32 s3, s0;
	s1 =	sshll.u32 s1, $0x11  }
0xbb: {  	s0 =	sor.u32 s1, s0  }
0xbc: {  	s0 =	sadd.s32 $0x8F2B, s0  }
0xbd: {  	[sflag:s0] =	ssyncadd.remote.s32 $0x1  }
0xbe: {  	_ =	sfence.sel $0xFFFF  }
0xbf: {  	[dreg:$0x0] =	wrdreg $0xFFFFFFFF;
	(pc) =	sbr.abs _section_cstart, $3  }
0xc0: {  	[dreg:$0x1] =	wrdreg $0xFFFFFFFF  }
0xc1: {  	_ =	task.clear_ibuf [dreg:s7], $0x2FFFF;
	_ =	strace $0x9FFFFFFF  }
0xc2: {  	(tm) =	ssettm $0x7FFFFFFF  }
0xc3: {  	_ =	shalt  }
tec
execute0_lowered:
.L_overlay_start_1:
0x0: {  	(tag) =	ssettag $0x1  }
0x1: {  	s0 =	rddreg [dreg:$0x0]  }
0x2: {  	s1 =	rddreg [dreg:$0x1];
	s12 =	stileid.u32  }
0x3: {  	s3 =	srdreg.scid;
	s2 =	simm.s32 $0x0;
	s18 =	smul.u32 $0x32000, s12  }
0x4: {  	s28 =	simm.s32 $0x3;
	s5 =	sand.u32 $0x1, s3;
	s19 =	smul.u32 $0xC800, s12  }
0x5: {  	s29 =	simm.s32 $0x2;
	s24 =	sshll.u32 s12, $0x1;
	s21 =	smul.u32 $0x6400, s5  }
0x6: {  	s6 =	sor.u32 s5, s24;
	s7 =	ssub.s32 $0x2, s5;
	s5 =	smul.u32 $0x19000, s5  }
0x7: {  	s30 =	simm.s32 $0x4;
	s31 =	simm.s32 $0x190;
	s8 =	smul.u32 $0x6400, s6  }
0x8: {  	[smem:$0x7FF] =	sst s2;
	s3 =	sadd.s32 $0xA00, s0;
	s26 =	smul.u32 $0xC80, s6  }
0x9: {  	s4 =	sadd.s32 $0xF42E00, s0;
	s12 =	simm.s32 $0xD;
	s11 =	smul.u32 $0x19000, s6  }
0xa: {  	_ =	strace $0x80000047;
	s25 =	sshrl.u32 s7, $0x1;
	s6 =	smul.u32 $0xC8000, s6  }
0xb: {  	s23 =	sadd.s32 s18, s1;
	s0 =	ssub.s32 s7, s25;
	s24 =	sadd.s32 s21, s19  }
0xc: {  	s21 =	simm.s32 $0x640;
	s9 =	sshrl.u32 s8, $0x3;
	s10 =	sadd.s32 $0x5780, s8  }
0xd: {  	s7 =	sadd.s32 s3, s26;
	s14 =	sadd.s32 s1, s11;
	s8 =	sadd.s32 $0x5DC0, s8  }
0xe: {  	s6 =	sshrl.u32 s6, $0x3;
	s0 =	smax.u32 s0, $0x1;
	s25 =	sadd.s32 $0x12C0, s24  }
0xf: {  	s26 =	sshll.u32 s24, $0x2;
	s18 =	sadd.s32 $0xC80, s24;
	s24 =	simm.s32 $0x6  }
0x10: {  	s11 =	simm.s32 $0xC;
	s9 =	sadd.s32 s3, s9;
	[dreg:$0x3] =	wrdreg s7  }
0x11: {  	s13 =	sshrl.u32 s10, $0x3;
	s15 =	sadd.s32 $0x12C00, s14;
	s16 =	sshrl.u32 s8, $0x3  }
0x12: {  	s17 =	sshll.u32 s10, $0x2;
	s8 =	sshll.u32 s8, $0x2;
	[dreg:$0xe] =	wrdreg s0  }
0x13: {  	s6 =	sadd.s32 s1, s6;
	s9 =	sadd.s32 $0xC8, s9;
	[dreg:$0x6] =	wrdreg s15  }
0x14: {  	s0 =	sshrl.u32 s25, $0x3;
	s7 =	sadd.s32 s3, s13;
	[dreg:$0x4] =	wrdreg s9  }
0x15: {  	s25 =	simm.s32 $0xD480;
	s8 =	sadd.s32 s1, s8;
	[dreg:$0x5] =	wrdreg s7  }
0x16: {  	s10 =	simm.s32 $0xB;
	s20 =	sadd.s32 $0x17D40, s6;
	[dreg:$0xa] =	wrdreg s8  }
0x17: {  	s22 =	sadd.s32 $0x18380, s6;
	s6 =	sadd.s32 $0x189C0, s6;
	[dreg:$0xb] =	wrdreg s20  }
0x18: {  	s19 =	sadd.s32 s0, s3;
	s13 =	simm.s32 $0xE;
	[dreg:$0xc] =	wrdreg s22  }
0x19: {  	s9 =	sadd.s32 s3, s16;
	s7 =	sadd.s32 $0x14500, s14;
	[dreg:$0xd] =	wrdreg s6  }
0x1a: {  	s22 =	simm.s32 $0x5;
	s6 =	simm.s32 $0x7;
	[dreg:$0x7] =	wrdreg s9  }
0x1b: {  	s8 =	simm.s32 $0x9;
	s14 =	simm.s32 $0x0;
	[dreg:$0x8] =	wrdreg s7  }
0x1c: {  	s7 =	sadd.s32 s1, s17;
	s17 =	sadd.s32 s5, s23;
	s1 =	sadd.s32 s1, s26  }
0x1d: {  	s23 =	simm.s32 $0xC80;
	s26 =	simm.s32 $0x1;
	s9 =	simm.s32 $0xA  }
0x1e: {  	[dreg:$0x9] =	wrdreg s7;
	s20 =	sadd.s32 $0x1900, s1;
	s7 =	simm.s32 $0x8  }
.LBB2_1:
0x1f: {  	s0 =	rddreg [dreg:$0x3]  }
0x20: {  	[tilespmem:s2], [sflag:$0x5] =	stream.linear.gather [hbm4b:s0+s2], $0x640, $0x38;
	[tilespmem:$0x19C80] =	vst v63  }
0x21: {  	s5 =	rddreg [dreg:$0x4]  }
0x22: {  	[tilespmem:s21], [sflag:$0x6] =	stream.linear.gather [hbm4b:s5+s2], $0x640, $0x38;
	[tilespmem:$0x19C80] =	vst v63  }
0x23: {  	_ =	swait.ge [sflag:s22], $0x640  }
0x24: {  	[sflag:s22] =	ssyncset.done $0x0  }
0x25: {  	[sflag:s22] =	ssyncadd.s32 $0xFFFFF9C0  }
0x26: {  	[tilespmem:s23], [sflag:$0x1] =	stream.indirect.gather [hbm4b:s4+s21], $0x20, s2, s21, $0xb8;
	[tilespmem:$0x19C80] =	vst v63  }
0x27: {  	_ =	swait.ge [sflag:s24], $0x640  }
0x28: {  	[sflag:s24] =	ssyncset.done $0x0  }
0x29: {  	[sflag:s24] =	ssyncadd.s32 $0xFFFFF9C0  }
0x2a: {  	[tilespmem:s25], [sflag:$0x2] =	stream.indirect.gather [hbm4b:s4+s21], $0x20, s21, s21, $0xb8;
	[tilespmem:$0x19C80] =	vst v63  }
0x2b: {  	_ =	swait.ge [sflag:s26], $0xC800  }
0x2c: {  	s1 =	sshrl.u32 s18, $0x3;
	[sflag:s26] =	ssyncset.done $0x0  }
0x2d: {  	s1 =	sadd.s32 s3, s1;
	[sflag:s26] =	ssyncadd.s32 $0xFFFF3800  }
0x2e: {  	[tilespmem:s2], [sflag:$0x5] =	stream.linear.gather [hbm4b:s1+s2], $0x640, $0x38;
	[tilespmem:$0x19C80] =	vst v63  }
0x2f: {  	s15 =	sadd.s32 $0x0, s17  }
0x30: {  	[hbm4b:s15+s2] =	stream.linear.scatter [tilespmem:s23], [sflag:$0x3], $0xC800, $0x38;
	[tilespmem:$0x19C80] =	vst v63  }
0x31: {  	_ =	swait.ge [sflag:s28], $0xC800  }
0x32: {  	[sflag:s28] =	ssyncset.done $0x0  }
0x33: {  	[sflag:s28] =	ssyncadd.s32 $0xFFFF3800  }
0x34: {  	_ =	swait.ge [sflag:s22], $0x640  }
0x35: {  	[sflag:s22] =	ssyncset.done $0x0  }
0x36: {  	[sflag:s22] =	ssyncadd.s32 $0xFFFFF9C0  }
0x37: {  	[tilespmem:s23], [sflag:$0x1] =	stream.indirect.gather [hbm4b:s4+s21], $0x20, s2, s21, $0xb8;
	[tilespmem:$0x19C80] =	vst v63  }
0x38: {  	_ =	swait.ge [sflag:s29], $0xC800  }
0x39: {  	[sflag:s29] =	ssyncset.done $0x0  }
0x3a: {  	[sflag:s29] =	ssyncadd.s32 $0xFFFF3800  }
0x3b: {  	[tilespmem:s21], [sflag:$0x6] =	stream.linear.gather [hbm4b:s19+s2], $0x640, $0x38;
	[tilespmem:$0x19C80] =	vst v63  }
0x3c: {  	s16 =	sadd.s32 $0x0, s20  }
0x3d: {  	[hbm4b:s16+s2] =	stream.linear.scatter [tilespmem:s25], [sflag:$0x4], $0xC800, $0x38;
	[tilespmem:$0x19C80] =	vst v63  }
0x3e: {  	_ =	swait.ge [sflag:s30], $0xC800  }
0x3f: {  	[sflag:s30] =	ssyncset.done $0x0  }
0x40: {  	[sflag:s30] =	ssyncadd.s32 $0xFFFF3800  }
0x41: {  	_ =	swait.ge [sflag:s24], $0x640  }
0x42: {  	s1 =	sadd.s32 $0x190, s19;
	[sflag:s24] =	ssyncset.done $0x0  }
0x43: {  	s15 =	simm.s32 $0x3200;
	s16 =	sadd.s32 $0xC80, s18;
	[sflag:s24] =	ssyncadd.s32 $0xFFFFF9C0  }
.LBB2_2:
0x44: {  	[tilespmem:s25], [sflag:$0x2] =	stream.indirect.gather [hbm4b:s4+s21], $0x20, s21, s21, $0xb8;
	[tilespmem:$0x19C80] =	vst v63  }
0x45: {  	s0 =	smov.u32 s15  }
0x46: {  	p0 =	sne.s32 s15, $0xFA00;
	s15 =	sadd.s32 $0x3200, s15;
	_ =	swait.ge [sflag:s26], $0xC800  }
0x47: {  	s5 =	sshrl.u32 s16, $0x3;
	[sflag:s26] =	ssyncset.done $0x0  }
0x48: {  	s5 =	sadd.s32 s3, s5;
	[sflag:s26] =	ssyncadd.s32 $0xFFFF3800  }
0x49: {  	[tilespmem:s2], [sflag:$0x5] =	stream.linear.gather [hbm4b:s5+s2], $0x640, $0x38;
	[tilespmem:$0x19C80] =	vst v63  }
0x4a: {  	s5 =	sadd.s32 s0, s17  }
0x4b: {  	[hbm4b:s5+s2] =	stream.linear.scatter [tilespmem:s23], [sflag:$0x3], $0xC800, $0x38;
	[tilespmem:$0x19C80] =	vst v63  }
0x4c: {  	_ =	swait.ge [sflag:s28], $0xC800  }
0x4d: {  	[sflag:s28] =	ssyncset.done $0x0  }
0x4e: {  	[sflag:s28] =	ssyncadd.s32 $0xFFFF3800  }
0x4f: {  	_ =	swait.ge [sflag:s22], $0x640  }
0x50: {  	[sflag:s22] =	ssyncset.done $0x0  }
0x51: {  	[sflag:s22] =	ssyncadd.s32 $0xFFFFF9C0  }
0x52: {  	[tilespmem:s23], [sflag:$0x1] =	stream.indirect.gather [hbm4b:s4+s21], $0x20, s2, s21, $0xb8;
	[tilespmem:$0x19C80] =	vst v63  }
0x53: {  	_ =	swait.ge [sflag:s29], $0xC800  }
0x54: {  	[sflag:s29] =	ssyncset.done $0x0  }
0x55: {  	[sflag:s29] =	ssyncadd.s32 $0xFFFF3800  }
0x56: {  	[tilespmem:s21], [sflag:$0x6] =	stream.linear.gather [hbm4b:s1+s2], $0x640, $0x38;
	[tilespmem:$0x19C80] =	vst v63  }
0x57: {  	s0 =	sadd.s32 s0, s20  }
0x58: {  	[hbm4b:s0+s2] =	stream.linear.scatter [tilespmem:s25], [sflag:$0x4], $0xC800, $0x38;
	[tilespmem:$0x19C80] =	vst v63  }
0x59: {  	_ =	swait.ge [sflag:s30], $0xC800  }
.Ltmp0:
0x5a: {  	[sflag:s30] =	ssyncset.done $0x0;
	(pc) =	sbr.rel @p0 .LBB2_2-.Ltmp0, $4  }
0x5b: {  	[sflag:s30] =	ssyncadd.s32 $0xFFFF3800  }
0x5c: {  	_ =	swait.ge [sflag:s24], $0x640  }
0x5d: {  	[sflag:s24] =	ssyncset.done $0x0  }
0x5e: {  	s16 =	sadd.s32 $0xC80, s16;
	s1 =	sadd.s32 $0x190, s1;
	[sflag:s24] =	ssyncadd.s32 $0xFFFFF9C0  }
0x5f: {  	[tilespmem:s25], [sflag:$0x2] =	stream.indirect.gather [hbm4b:s4+s21], $0x20, s21, s21, $0xb8;
	[tilespmem:$0x19C80] =	vst v63  }
0x60: {  	_ =	swait.ge [sflag:s26], $0xC800  }
0x61: {  	[sflag:s26] =	ssyncset.done $0x0  }
0x62: {  	s0 =	rddreg [dreg:$0x5];
	[sflag:s26] =	ssyncadd.s32 $0xFFFF3800  }
0x63: {  	[tilespmem:s2], [sflag:$0x5] =	stream.linear.gather [hbm4b:s0+s2], $0x640, $0x38;
	[tilespmem:$0x19C80] =	vst v63  }
0x64: {  	s15 =	rddreg [dreg:$0x6]  }
0x65: {  	[hbm4b:s15+s2] =	stream.linear.scatter [tilespmem:s23], [sflag:$0x3], $0xC800, $0x38;
	[tilespmem:$0x19C80] =	vst v63  }
0x66: {  	_ =	swait.ge [sflag:s28], $0xC800  }
0x67: {  	[sflag:s28] =	ssyncset.done $0x0  }
0x68: {  	[sflag:s28] =	ssyncadd.s32 $0xFFFF3800  }
0x69: {  	_ =	swait.ge [sflag:s22], $0x640  }
0x6a: {  	[sflag:s22] =	ssyncset.done $0x0  }
0x6b: {  	[sflag:s22] =	ssyncadd.s32 $0xFFFFF9C0  }
0x6c: {  	[tilespmem:s23], [sflag:$0x1] =	stream.indirect.gather [hbm4b:s4+s21], $0x20, s2, s21, $0xb8;
	[tilespmem:$0x19C80] =	vst v63  }
0x6d: {  	_ =	swait.ge [sflag:s29], $0xC800  }
0x6e: {  	[sflag:s29] =	ssyncset.done $0x0  }
0x6f: {  	s16 =	rddreg [dreg:$0x7];
	[sflag:s29] =	ssyncadd.s32 $0xFFFF3800  }
0x70: {  	[tilespmem:s21], [sflag:$0x6] =	stream.linear.gather [hbm4b:s16+s2], $0x640, $0x38;
	[tilespmem:$0x19C80] =	vst v63  }
0x71: {  	s1 =	rddreg [dreg:$0x8]  }
0x72: {  	[hbm4b:s1+s2] =	stream.linear.scatter [tilespmem:s25], [sflag:$0x4], $0xC800, $0x38;
	[tilespmem:$0x19C80] =	vst v63  }
0x73: {  	_ =	swait.ge [sflag:s30], $0xC800  }
0x74: {  	[sflag:s30] =	ssyncset.done $0x0  }
0x75: {  	[sflag:s30] =	ssyncadd.s32 $0xFFFF3800  }
0x76: {  	_ =	swait.ge [sflag:s24], $0x640  }
0x77: {  	[sflag:s24] =	ssyncset.done $0x0  }
0x78: {  	[sflag:s24] =	ssyncadd.s32 $0xFFFFF9C0  }
0x79: {  	[tilespmem:s25], [sflag:$0x7] =	stream.indirect.gather [hbm4b:s4+s31], $0x20, s21, s31, $0xb8;
	[tilespmem:$0x19C80] =	vst v63  }
0x7a: {  	s5 =	simm.s32 $0x7D0;
	s1 =	simm.s32 $0x10680  }
0x7b: {  	[tilespmem:s1], [sflag:$0x8] =	stream.indirect.gather [hbm4b:s4+s31], $0x20, s5, s31, $0xb8;
	[tilespmem:$0x19C80] =	vst v63  }
0x7c: {  	s15 =	simm.s32 $0x960;
	s5 =	simm.s32 $0x13880  }
0x7d: {  	[tilespmem:s5], [sflag:$0x9] =	stream.indirect.gather [hbm4b:s4+s31], $0x20, s15, s31, $0xb8;
	[tilespmem:$0x19C80] =	vst v63  }
0x7e: {  	s16 =	simm.s32 $0xAF0;
	s15 =	simm.s32 $0x16A80  }
0x7f: {  	[tilespmem:s15], [sflag:$0xA] =	stream.indirect.gather [hbm4b:s4+s31], $0x20, s16, s31, $0xb8;
	[tilespmem:$0x19C80] =	vst v63  }
0x80: {  	_ =	swait.ge [sflag:s26], $0xC800  }
0x81: {  	[sflag:s26] =	ssyncset.done $0x0  }
0x82: {  	s16 =	rddreg [dreg:$0x9];
	[sflag:s26] =	ssyncadd.s32 $0xFFFF3800  }
0x83: {  	[hbm4b:s16+s2] =	stream.linear.scatter [tilespmem:s23], [sflag:$0x3], $0xC800, $0x38;
	[tilespmem:$0x19C80] =	vst v63  }
0x84: {  	_ =	swait.ge [sflag:s6], $0x3200  }
0x85: {  	[sflag:s6] =	ssyncset.done $0x0  }
0x86: {  	s16 =	rddreg [dreg:$0xa];
	[sflag:s6] =	ssyncadd.s32 $0xFFFFCE00  }
0x87: {  	[hbm4b:s16+s2] =	stream.linear.scatter [tilespmem:s25], [sflag:$0xB], $0x3200, $0x38;
	[tilespmem:$0x19C80] =	vst v63  }
0x88: {  	_ =	swait.ge [sflag:s7], $0x3200  }
0x89: {  	[sflag:s7] =	ssyncset.done $0x0  }
0x8a: {  	s16 =	rddreg [dreg:$0xb];
	[sflag:s7] =	ssyncadd.s32 $0xFFFFCE00  }
0x8b: {  	[hbm4b:s16+s2] =	stream.linear.scatter [tilespmem:s1], [sflag:$0xC], $0x3200, $0x38;
	[tilespmem:$0x19C80] =	vst v63  }
0x8c: {  	_ =	swait.ge [sflag:s8], $0x3200  }
0x8d: {  	[sflag:s8] =	ssyncset.done $0x0  }
0x8e: {  	s1 =	rddreg [dreg:$0xc];
	[sflag:s8] =	ssyncadd.s32 $0xFFFFCE00  }
0x8f: {  	[hbm4b:s1+s2] =	stream.linear.scatter [tilespmem:s5], [sflag:$0xD], $0x3200, $0x38;
	[tilespmem:$0x19C80] =	vst v63  }
0x90: {  	_ =	swait.ge [sflag:s9], $0x3200  }
0x91: {  	[sflag:s9] =	ssyncset.done $0x0  }
0x92: {  	s5 =	rddreg [dreg:$0xd];
	[sflag:s9] =	ssyncadd.s32 $0xFFFFCE00  }
0x93: {  	[hbm4b:s5+s2] =	stream.linear.scatter [tilespmem:s15], [sflag:$0xE], $0x3200, $0x38;
	[tilespmem:$0x19C80] =	vst v63  }
0x94: {  	_ =	swait.ge [sflag:s28], $0xC800  }
0x95: {  	[sflag:s28] =	ssyncset.done $0x0  }
0x96: {  	[sflag:s28] =	ssyncadd.s32 $0xFFFF3800  }
0x97: {  	_ =	swait.ge [sflag:s10], $0x3200  }
0x98: {  	[sflag:s10] =	ssyncset.done $0x0  }
0x99: {  	[sflag:s10] =	ssyncadd.s32 $0xFFFFCE00  }
0x9a: {  	_ =	swait.ge [sflag:s11], $0x3200  }
0x9b: {  	[sflag:s11] =	ssyncset.done $0x0  }
0x9c: {  	[sflag:s11] =	ssyncadd.s32 $0xFFFFCE00  }
0x9d: {  	_ =	swait.ge [sflag:s12], $0x3200  }
0x9e: {  	[sflag:s12] =	ssyncset.done $0x0  }
0x9f: {  	[sflag:s12] =	ssyncadd.s32 $0xFFFFCE00  }
0xa0: {  	_ =	swait.ge [sflag:s13], $0x3200  }
0xa1: {  	s14 =	sadd.s32 $0x1, s14;
	s16 =	rddreg [dreg:$0xe]  }
0xa2: {  	p0 =	sne.s32 s14, s16  }
.Ltmp1:
0xa3: {  	_ = 	snop;
	(pc) =	sbr.rel @p0 .LBB2_1-.Ltmp1, $3  }
0xa4: {  	_ =	sdelay $0x1  }
0xa5: {  	[sflag:s13] =	ssyncset.done $0x0  }
0xa6: {  	[sflag:s13] =	ssyncadd.s32 $0xFFFFCE00  }
0xa7: {  	_ =	sfence.sel $0x180000  }
0xa8: {  	[bflag:$0x0] =	sbarrier.arrive $0xFFFF  }
0xa9: {  	_ =	strace $0x90000047  }
0xaa: {  	s0 =	stileid.u32;
	[bflag:$0x2] =	sbarrier.arrive $0xFFFF  }
0xab: {  	p0 =	sne.s32 s0, $0x0;
	s0 =	rddreg [dreg:$0x2]  }
0xac: {  	s0 =	sadd.s32 @!p0 $0x100000, s0  }
0xad: {  	[sflag:s0] =	ssyncadd.tile.s32 @!p0 $0x1;
	_ =	shalt  }
.Lfunc_end2:
_tile_overlayer_lowered:
.L_overlay_start_2:
0xae: {  	(tag) =	ssettag $0x2  }
0xaf: {  	s0 =	rddreg [dreg:$0x0];
	s2 =	stileid.u32  }
0xb0: {  	s1 =	rddreg [dreg:$0x1];
	p0 =	sne.s32 s2, $0x0  }
0xb1: {  	s3 =	rddreg [dreg:$0x2];
	[bflag:$0x3] =	sbarrier.arrive $0xFFFF;
	s2 =	simm.s32 @!p0 $0x1C0F  }
0xb2: {  	[timem:s3], [sflag:s2] =	dma.local @!p0 [hbm:s0], s1  }
0xb3: {  	s0 =	simm.s32 @!p0 $0xF  }
0xb4: {  	_ =	swait.ge @!p0 [sflag:s0], s1  }
0xb5: {  	s1 =	ssub.s32 @!p0 $0x0, s1;
	[sflag:s0] =	ssyncset.done @!p0 $0x0  }
0xb6: {  	[sflag:s0] =	ssyncadd.s32 @!p0 s1  }
0xb7: {  	[bflag:$0x3] =	sbarrier.arrive $0xFFFF  }
0xb8: {  	_ =	shalt  }

// kernel: sparse-core-data-format-call.cloned.1.call-start
scs
called_computation_lowered:
.L_overlay_start_0:
0x0: {  	s2 =	sld [smem:$0x3FD9]  }
0x1: {  	s3 =	sld [smem:$0x3FFE];
	_ =	sdelay $0x1  }
0x2: {  	s1 =	srdreg.scid  }
0x3: {  	s0 =	sand.u32 $0x1, s1  }
0x4: {  	s18 =	sshll.u32 s0, $0xA;
	s2 =	sadd.s32 s3, s2  }
0x5: {  	s2 =	sadd.s32 s2, s18  }
0x6: {  	[smem:$0x3FC6] =	sst s2  }
0x7: {  	_ = 	snop  }
0x8: {  	s2 =	sld [smem:$0x3FD0];
	(tm) =	ssettm $0x1  }
0x9: {  	s19 =	sld [smem:$0x3FFB];
	_ =	sdelay $0x3  }
0xa: {  	_ =	strace s19  }
0xb: {  	s3 =	sld [smem:$0x3FFC];
	_ =	sdelay $0x3  }
0xc: {  	_ =	strace s3  }
0xd: {  	s3 =	sld [smem:$0x3FFD];
	_ =	sdelay $0x3  }
0xe: {  	_ =	strace s3  }
0xf: {  	_ =	strace $0x8FFFFFFF  }
0x10: {  	s20 =	sld [smem:$0x3FDB];
	_ =	sdelay $0x1  }
0x11: {  	s4 =	simm.s32 $_scs_section_size  }
0x12: {  	s5 =	simm.s32 $_size__tile_overlayer_lowered;
	s6 =	simm.s32 $_tile_overlayer_lowered  }
0x13: {  	s23 =	simm.s32 $0x1BFF;
	s22 =	sshll.u32 s6, $0x1;
	s3 =	sadd.s32 s4, s20  }
0x14: {  	s7 =	simm.s32 $0x0;
	s21 =	sshll.u32 s5, $0x1;
	s5 =	sadd.s32 s22, s3  }
0x15: {  	[timem:s7], [sflag:s23] =	dma.local [hbm:s5], s21  }
0x16: {  	_ =	swait.ge [sflag:s23], s21  }
0x17: {  	s4 =	ssub.s32 $0x0, s21;
	[sflag:s23] =	ssyncset.done $0x0  }
0x18: {  	[sflag:s23] =	ssyncadd.s32 s4;
	_ =	sdelay $0x1  }
0x19: {  	s24 =	simm.s32 $0x1B8B  }
0x1a: {  	_ =	swait.ge [sflag:s24], $0x1  }
0x1b: {  	[sflag:s24] =	ssyncset.done $0x0  }
0x1c: {  	s26 =	simm.s32 $0x1B8E;
	s25 =	sld [smem:$0x3FFE];
	[sflag:s24] =	ssyncadd.s32 $0xFFFFFFFF  }
0x1d: {  	s27 =	simm.s32 $execute0_lowered;
	[smem:$0x3FD2] =	sst s26  }
0x1e: {  	s5 =	sshll.u32 s27, $0x1;
	_ =	strace $0x80000049;
	[dreg:$0x1] =	wrdreg $0xFFFFFFFF  }
0x1f: {  	s28 =	simm.s32 $_size_execute0_lowered;
	s3 =	sadd.s32 s3, s5;
	[dreg:$0x0] =	wrdreg $0x0  }
0x20: {  	s5 =	sshll.u32 s28, $0x1;
	[dreg:$0x2] =	wrdreg s3  }
0x21: {  	[dreg:$0x3] =	wrdreg s5  }
0x22: {  	[dreg:$0x4] =	wrdreg $0xC0  }
0x23: {  	_ =	task [dreg:s7], $0x5FFFF  }
0x24: {  	[dreg:$0x1] =	wrdreg $0xFFFFFFFF  }
0x25: {  	[dreg:$0x0] =	wrdreg $0x60  }
0x26: {  	[dreg:$0x2] =	wrdreg s25  }
0x27: {  	[dreg:$0x3] =	wrdreg s2  }
0x28: {  	[dreg:$0x4] =	wrdreg $0x9  }
0x29: {  	_ =	task.clear_ibuf [dreg:s7], $0x5FFFF;
	_ =	strace $0x90000049  }
0x2a: {  	s29 =	simm.s32 $0x9;
	_ =	strace $0x8000004B  }
0x2b: {  	_ =	swait.ge [sflag:s29], $0x1  }
0x2c: {  	[sflag:s29] =	ssyncadd.s32 $0xFFFFFFFF  }
0x2d: {  	_ =	strace $0x9000004B  }
0x2e: {  	_ =	sfence  }
0x2f: {  	s30 =	sld [smem:$0x0];
	_ =	sdelay $0x2  }
0x30: {  	s31 =	sshll.u32 s1, $0xD;
	s1 =	sshrl.u32 s1, $0x2  }
0x31: {  	s3 =	sand.u32 $0x4000, s31;
	s1 =	sadd.s32 s1, s30  }
0x32: {  	s0 =	sor.u32 s3, s0;
	s1 =	sshll.u32 s1, $0x11  }
0x33: {  	s0 =	sor.u32 s1, s0  }
0x34: {  	s0 =	sadd.s32 $0x8F2B, s0  }
0x35: {  	[sflag:s0] =	ssyncadd.remote.s32 $0x1  }
0x36: {  	_ =	sfence.sel $0xFFFF  }
0x37: {  	[dreg:$0x0] =	wrdreg $0xFFFFFFFF;
	(pc) =	sbr.abs _section_cstart, $3  }
0x38: {  	[dreg:$0x1] =	wrdreg $0xFFFFFFFF  }
0x39: {  	_ =	task.clear_ibuf [dreg:s7], $0x2FFFF;
	_ =	strace $0x9FFFFFFF  }
0x3a: {  	(tm) =	ssettm $0x7FFFFFFF  }
0x3b: {  	_ =	shalt  }
tec
execute0_lowered:
.L_overlay_start_1:
0x0: {  	(tag) =	ssettag $0x1  }
0x1: {  	s0 =	srdreg.scid  }
0x2: {  	s1 =	sshll.u32 s0, $0x4  }
0x3: {  	s4 =	rddreg [dreg:$0x0];
	s0 =	stileid.u32;
	s1 =	sand.u32 $0x10, s1  }
0x4: {  	s2 =	rddreg [dreg:$0x1];
	s7 =	simm.s32 $0x1;
	s1 =	sor.u32 s0, s1  }
0x5: {  	s8 =	simm.s32 $0x2;
	s11 =	simm.s32 $0x0;
	s3 =	sshll.u32 s1, $0x7  }
0x6: {  	s10 =	simm.s32 $0x0;
	s4 =	sadd.s32 $0xA00, s4;
	s6 =	ssub.s32 $0xC8000, s3  }
.Ltmp0:
0x7: {  	s1 =	rddreg [dreg:$0x2];
	s5 =	sand.u32 $0xF80, s6;
	(pc) =	sbr.rel .LBB1_1-.Ltmp0, $4  }
0x8: {  	_ =	strace $0x8000004A;
	s9 =	smov.u32 s3;
	p0 =	sne.s32 s5, $0x0  }
0x9: {  	s6 =	sshrl.u32 s6, $0xC;
	s5 =	simm.s32 $0x1;
	s7 =	simm.s32 @!p0 $0x0  }
0xa: {  	[sflag:s5] =	ssyncpa.u1 $0x0;
	p0 =	por $0x0, $0x0;
	s6 =	sadd.s32 s7, s6  }
0xb: {  	[sflag:s8] =	ssyncpa.u1 $0x0;
	s8 =	simm.s32 $0x640000;
	s7 =	sadd.s32 $0x1, s6  }
.LBB1_4:
0xc: {  	s14 =	sshll.u32 s11, $0x3  }
0xd: {  	s30 =	sand.u32 $0x7F, s11;
	s15 =	sand.u32 $0xFFFFFC00, s14  }
0xe: {  	s11 =	sor.u32 s30, s15  }
0xf: {  	s15 =	smulhi.u32 $0x51EB851F, s11  }
0x10: {  	s14 =	smulhi.u32 $0x51EB851F, s14  }
0x11: {  	s15 =	sshrl.u32 s15, $0x12  }
0x12: {  	s14 =	sshrl.u32 s14, $0x12;
	s15 =	smul.u32 $0xC8000, s15  }
0x13: {  	s14 =	sand.u32 $0x1F, s14  }
0x14: {  	s14 =	smul.u32 $0x19000, s14;
	s11 =	ssub.s32 s11, s15  }
0x15: {  	s15 =	sand.u32 $0x7, s11  }
0x16: {  	s14 =	sadd.s32 s2, s14;
	s11 =	sshrl.u32 s11, $0x3;
	s15 =	sshll.u32 s15, $0x12  }
0x17: {  	[tilespmem:s13+$0x0 ss:$0x81] =	vst.msk $0xffff, v0;
	s11 =	sadd.s32 s11, s14;
	s31 =	sor.u32 $0x400, s15  }
0x18: {  	[hbm4b:s11+s31] =	stream.strided.scatter [tilespmem:s12], [sflag:$0x2], $0x1000, s8, s31, $0x20;
	[tilespmem:$0x4040] =	vst v63  }
.LBB1_5:
0x19: {  	s13 =	sadd.s32 $0x1000, s9  }
0x1a: {  	p2 =	sgt.s32 s13, $0xC7FFF  }
0x1b: {  	s13 =	smov.u32 @p2 s3;
	p2 =	sne.s32 s10, s7  }
.Ltmp1:
0x1c: {  	p1 =	slt.u32 s10, $0x2;
	(pc) =	sbr.rel @!p2 .LBB1_6-.Ltmp1, $4  }
0x1d: {  	s12 =	simm.s32 @!p1 $0x2  }
0x1e: {  	s14 =	sadd.s32 $0x1, s10;
	_ =	swait.ge @!p1 [sflag:s12], $0x1000  }
0x1f: {  	s11 =	smov.u32 s9;
	p0 =	por !p0, !p0;
	[sflag:s12] =	ssyncset.done @!p1 $0x0  }
0x20: {  	s10 =	smov.u32 s14;
	s9 =	smov.u32 s13;
	[sflag:s12] =	ssyncadd.s32 @!p1 $0xFFFFF000  }
.LBB1_1:
0x21: {  	p1 =	sge.u32 s10, s6  }
0x22: {  	s12 =	sand.u32 @!p1 $0x1FFFFFF, s9  }
0x23: {  	s13 =	smulhi.u32 @!p1 $0x147AE15, s12;
	_ =	sdelay $0x1  }
0x24: {  	s13 =	sshrl.u32 @!p1 s13, $0xC  }
0x25: {  	s13 =	smul.u32 @!p1 $0xC8000, s13;
	_ =	sdelay $0x1  }
0x26: {  	s31 =	sadd.s32 $0xFFFFFFFF, s10;
	s14 =	sxor.u32 @!p1 $0xFFFFFFFF, s10;
	s12 =	ssub.s32 @!p1 s12, s13  }
0x27: {  	s15 =	simm.s32 @!p1 $0x80;
	s14 =	sshll.u32 @!p1 s14, $0xC;
	s12 =	sshll.u32 @!p1 s12, $0x4  }
0x28: {  	s13 =	sand.u32 @!p1 $0x1000, s14;
	s14 =	simm.s32 @!p1 $0x20;
	s12 =	sadd.s32 @!p1 s4, s12  }
0x29: {  	[tilespmem:s13], [sflag:$0x1] =	stream.strided.gather @!p1 [hbm4b:s12+s14], $0x1000, s15, s14, $0x38;
	[tilespmem:$0x4040] =	vst v63  }
0x2a: {  	p1 =	sge.u32 s31, s6  }
.Ltmp2:
0x2b: {  	_ = 	snop;
	(pc) =	sbr.rel @p1 .LBB1_5-.Ltmp2, $1  }
0x2c: {  	_ =	sdelay $0x3  }
0x2d: {  	s12 =	simm.s32 $0x1  }
0x2e: {  	_ =	swait.ge [sflag:s5], $0x1000;
	s12 =	simm.s32 @!p0 $0x0  }
0x2f: {  	[sflag:s5] =	ssyncset.done $0x0;
	s13 =	sshll.u32 s12, $0xC  }
0x30: {  	[sflag:s5] =	ssyncadd.s32 $0xFFFFF000;
	s16 =	sor.u32 $0x10, s13  }
0x31: {  	s12 =	smul.u32 $0x4080, s12;
	v1 =	vld [tilespmem:s16+$0x0]  }
0x32: {  	s30 =	sand.u32 $0x1, s10;
	v0 =	vld [tilespmem:s16+$0xFFFFFFF0]  }
0x33: {  	s13 =	smul.u32 $0x4080, s30;
	s12 =	sshrl.u32 s12, $0x2  }
0x34: {  	s14 =	sor.u32 $0x2000, s12  }
0x35: {  	s31 =	sshrl.u32 s13, $0x2;
	s13 =	sadd.s32 $0x0, s14  }
0x36: {  	s15 =	simm.s32 $0x4;
	s16 =	sadd.s32 $0x20, s16;
	s12 =	sor.u32 $0x2000, s31;
	[tilespmem:s13+$0x810 ss:$0x81] =	vst.msk $0xffff, v1  }
.LBB1_3:
0x37: {  	v1 =	vld [tilespmem:s16+$0x0];
	p1 =	sne.s32 s15, $0x1FC;
	[tilespmem:s13+$0x0 ss:$0x81] =	vst.msk $0xffff, v0;
	s13 =	smov.u32 s15;
	s15 =	sadd.s32 $0x4, s15  }
.Ltmp3:
0x38: {  	v0 =	vld [tilespmem:s16+$0xFFFFFFF0];
	(pc) =	sbr.rel @p1 .LBB1_3-.Ltmp3, $4  }
0x39: {  	_ = 	snop  }
0x3a: {  	s13 =	sshra.s32 s13, $0x2  }
0x3b: {  	s13 =	sadd.s32 s13, s14  }
0x3c: {  	s16 =	sadd.s32 $0x20, s16;
	[tilespmem:s13+$0x810 ss:$0x81] =	vst.msk $0xffff, v1  }
.Ltmp4:
0x3d: {  	_ = 	snop;
	(pc) =	sbr.rel .LBB1_4-.Ltmp4, $1  }
0x3e: {  	_ =	sdelay $0x3  }
.LBB1_6:
0x3f: {  	_ =	sfence.sel $0x180000  }
0x40: {  	s2 =	simm.s32 $0x1;
	[bflag:$0x0] =	sbarrier.arrive $0xFFFF  }
0x41: {  	s31 =	simm.s32 $0x2;
	[sflag:s2] =	ssyncpa.u1 $0x1  }
0x42: {  	[sflag:s31] =	ssyncpa.u1 $0x1  }
0x43: {  	p0 =	sne.s32 s0, $0x0;
	_ =	strace $0x9000004A  }
0x44: {  	s0 =	sadd.s32 @!p0 $0x100000, s1;
	[bflag:$0x2] =	sbarrier.arrive $0xFFFF  }
0x45: {  	[sflag:s0] =	ssyncadd.tile.s32 @!p0 $0x1;
	_ =	shalt  }
.Lfunc_end1:
_tile_overlayer_lowered:
.L_overlay_start_2:
0x46: {  	(tag) =	ssettag $0x2  }
0x47: {  	s0 =	rddreg [dreg:$0x0];
	s2 =	stileid.u32  }
0x48: {  	s1 =	rddreg [dreg:$0x1];
	p0 =	sne.s32 s2, $0x0  }
0x49: {  	s3 =	rddreg [dreg:$0x2];
	[bflag:$0x3] =	sbarrier.arrive $0xFFFF;
	s2 =	simm.s32 @!p0 $0x1C01  }
0x4a: {  	[timem:s3], [sflag:s2] =	dma.local @!p0 [hbm:s0], s1  }
0x4b: {  	s0 =	simm.s32 @!p0 $0x1  }
0x4c: {  	_ =	swait.ge @!p0 [sflag:s0], s1  }
0x4d: {  	s1 =	ssub.s32 @!p0 $0x0, s1;
	[sflag:s0] =	ssyncset.done @!p0 $0x0  }
0x4e: {  	[sflag:s0] =	ssyncadd.s32 @!p0 s1  }
0x4f: {  	[bflag:$0x3] =	sbarrier.arrive $0xFFFF  }
0x50: {  	_ =	shalt  }

</sc_bundles>
